<compile_context>
chip_gen: v7x
topology: tpu7x:2x2x1
jax: 0.10.2.dev20260603
libtpu: 0.0.44.dev20260713+nightly
codegen_flags: <defaults>
</compile_context>

<pallas_src>
import functools

import jax
import jax.numpy as jnp
from jax import lax
from jax.experimental import pallas as pl
from jax.experimental.pallas import tpu as pltpu
from jax.experimental.pallas import tpu_sc as plsc

NC, NS = 2, 16
NW = NC * NS
K = 128
D = 128
BLK = 2048


def _round_up(a, b):
    return (a + b - 1) // b * b



def _mm_a(x_ref, w_ref, o_ref):
    o_ref[...] = jnp.dot(x_ref[...], w_ref[...],
                         preferred_element_type=jnp.float32)


def _stage_b(e0, e1, d0, d1, yb, xwb, xb, w2, etop_o, ew_o, ewself_o):
    deg = jnp.maximum(d0[...] + d1[...], 1.0)
    eagg = (e0[...] + e1[...]) / deg
    etop = jnp.maximum(eagg + yb[...], 0.0)
    etop_o[...] = etop
    ew_o[...] = jnp.dot(etop, w2[...], preferred_element_type=jnp.float32)
    eself = jnp.maximum(xwb[...] + xb[...], 0.0)
    ewself_o[...] = jnp.dot(eself, w2[...], preferred_element_type=jnp.float32)


def _stage_c(n0, n1, ews, v0, v1, n_o):
    deg = v0[...] + v1[...] + 1.0
    acc = n0[...] + n1[...] + ews[...]
    n_o[...] = jnp.maximum(acc / deg, 0.0)



def _sc_pass1(np_, chunks):
    z = np_ // NS

    def body(xw_hbm, src_hbm, dst_hbm, z2d, z1d,
             eacc_out, dege_out, degv_out,
             idx_s, idx_d, rows, ones_v, eacc_sh, dege_sh, degv_sh,
             sem, semd):
        c = lax.axis_index("c")
        s = lax.axis_index("s")
        zoff = s * z
        pltpu.sync_copy(z2d.at[pl.ds(zoff, z)], eacc_sh.at[pl.ds(zoff, z)])
        pltpu.sync_copy(z1d.at[pl.ds(zoff, z)], dege_sh.at[pl.ds(zoff, z)])
        pltpu.sync_copy(z1d.at[pl.ds(zoff, z)], degv_sh.at[pl.ds(zoff, z)])
        for i in range(K // 16):
            ones_v[pl.ds(i * 16, 16)] = jnp.ones((16,), jnp.float32)
        plsc.subcore_barrier()
        wid = s * NC + c
        pltpu.sync_copy(src_hbm.at[pl.ds(wid * chunks, chunks)], idx_s)
        pltpu.sync_copy(dst_hbm.at[pl.ds(wid * chunks, chunks)], idx_d)

        def step(j, carry):
            pltpu.async_copy(xw_hbm.at[idx_s.at[j]], rows, sem).wait()
            pltpu.sync_copy(rows, eacc_sh.at[idx_d.at[j]], add=True)
            pltpu.async_copy(ones_v, dege_sh.at[idx_d.at[j]], semd, add=True)
            pltpu.async_copy(ones_v, degv_sh.at[idx_s.at[j]], semd, add=True)
            return carry

        lax.fori_loop(0, chunks, step, 0)

        def drain(j, carry):
            pltpu.make_async_copy(ones_v, dege_sh.at[idx_d.at[j]], semd).wait()
            pltpu.make_async_copy(ones_v, degv_sh.at[idx_s.at[j]], semd).wait()
            return carry

        lax.fori_loop(0, chunks, drain, 0)
        plsc.subcore_barrier()
        pltpu.sync_copy(eacc_sh.at[pl.ds(zoff, z)],
                        eacc_out.at[c, pl.ds(zoff, z)])
        pltpu.sync_copy(dege_sh.at[pl.ds(zoff, z)],
                        dege_out.at[c, pl.ds(zoff, z)])
        pltpu.sync_copy(degv_sh.at[pl.ds(zoff, z)],
                        degv_out.at[c, pl.ds(zoff, z)])

    return pl.kernel(
        body,
        out_type=(
            jax.ShapeDtypeStruct((NC, np_, D), jnp.float32),
            jax.ShapeDtypeStruct((NC, np_), jnp.float32),
            jax.ShapeDtypeStruct((NC, np_), jnp.float32),
        ),
        mesh=plsc.VectorSubcoreMesh(core_axis_name="c", subcore_axis_name="s"),
        scratch_types=[
            pltpu.VMEM((chunks, K), jnp.int32),
            pltpu.VMEM((chunks, K), jnp.int32),
            pltpu.VMEM((K, D), jnp.float32),
            pltpu.VMEM((K,), jnp.float32),
            pltpu.VMEM_SHARED((np_, D), jnp.float32),
            pltpu.VMEM_SHARED((np_,), jnp.float32),
            pltpu.VMEM_SHARED((np_,), jnp.float32),
            pltpu.SemaphoreType.DMA,
            pltpu.SemaphoreType.DMA,
        ],
        compiler_params=pltpu.CompilerParams(use_tc_tiling_on_sc=False),
    )


def _sc_pass2(np_, chunks):
    z = np_ // NS

    def body(ew_hbm, src_hbm, dst_hbm, z2d,
             nacc_out,
             idx_s, idx_d, rows, nacc_sh, sem):
        c = lax.axis_index("c")
        s = lax.axis_index("s")
        zoff = s * z
        pltpu.sync_copy(z2d.at[pl.ds(zoff, z)], nacc_sh.at[pl.ds(zoff, z)])
        plsc.subcore_barrier()
        wid = s * NC + c
        pltpu.sync_copy(src_hbm.at[pl.ds(wid * chunks, chunks)], idx_s)
        pltpu.sync_copy(dst_hbm.at[pl.ds(wid * chunks, chunks)], idx_d)

        def step(j, carry):
            pltpu.async_copy(ew_hbm.at[idx_d.at[j]], rows, sem).wait()
            pltpu.sync_copy(rows, nacc_sh.at[idx_s.at[j]], add=True)
            return carry

        lax.fori_loop(0, chunks, step, 0)
        plsc.subcore_barrier()
        pltpu.sync_copy(nacc_sh.at[pl.ds(zoff, z)],
                        nacc_out.at[c, pl.ds(zoff, z)])

    return pl.kernel(
        body,
        out_type=jax.ShapeDtypeStruct((NC, np_, D), jnp.float32),
        mesh=plsc.VectorSubcoreMesh(core_axis_name="c", subcore_axis_name="s"),
        scratch_types=[
            pltpu.VMEM((chunks, K), jnp.int32),
            pltpu.VMEM((chunks, K), jnp.int32),
            pltpu.VMEM((K, D), jnp.float32),
            pltpu.VMEM_SHARED((np_, D), jnp.float32),
            pltpu.SemaphoreType.DMA,
        ],
        compiler_params=pltpu.CompilerParams(use_tc_tiling_on_sc=False),
    )



def kernel(x, y, hyperedge_index, W1, W2):
    num_nodes = x.shape[0]
    num_edges = y.shape[0]
    nnz = hyperedge_index.shape[1]

    np_ = _round_up(max(num_nodes, num_edges), BLK)
    nnzp = _round_up(nnz, K * NW)
    chunks = nnzp // (K * NW)
    pad_slot = max(num_nodes, num_edges) + 16

    x_p = jnp.zeros((np_, D), jnp.float32).at[:num_nodes].set(x)
    y_p = jnp.zeros((np_, D), jnp.float32).at[:num_edges].set(y)
    padv = jnp.full((nnzp - nnz,), pad_slot, jnp.int32)
    src = jnp.concatenate(
        [hyperedge_index[0].astype(jnp.int32), padv]).reshape(nnzp // K, K)
    dst = jnp.concatenate(
        [hyperedge_index[1].astype(jnp.int32), padv]).reshape(nnzp // K, K)
    z2d = jnp.zeros((np_, D), jnp.float32)
    z1d = jnp.zeros((np_,), jnp.float32)

    grid = np_ // BLK
    row_spec = pl.BlockSpec((BLK, D), lambda i: (i, 0))
    col_spec = pl.BlockSpec((BLK, 1), lambda i: (i, 0))
    w_spec = pl.BlockSpec((D, D), lambda i: (0, 0))

    xw_p = pl.pallas_call(
        _mm_a,
        grid=(grid,),
        in_specs=[row_spec, w_spec],
        out_specs=row_spec,
        out_shape=jax.ShapeDtypeStruct((np_, D), jnp.float32),
    )(x_p, W1)

    eacc, dege, degv = _sc_pass1(np_, chunks)(xw_p, src, dst, z2d, z1d)

    etop, ew, ewself = pl.pallas_call(
        _stage_b,
        grid=(grid,),
        in_specs=[row_spec, row_spec, col_spec, col_spec,
                  row_spec, row_spec, row_spec, w_spec],
        out_specs=[row_spec, row_spec, row_spec],
        out_shape=[jax.ShapeDtypeStruct((np_, D), jnp.float32)] * 3,
    )(eacc[0], eacc[1], dege[0].reshape(np_, 1), dege[1].reshape(np_, 1),
      y_p, xw_p, x_p, W2)

    nacc = _sc_pass2(np_, chunks)(ew, src, dst, z2d)

    n = pl.pallas_call(
        _stage_c,
        grid=(grid,),
        in_specs=[row_spec, row_spec, row_spec, col_spec, col_spec],
        out_specs=row_spec,
        out_shape=jax.ShapeDtypeStruct((np_, D), jnp.float32),
    )(nacc[0], nacc[1], ewself,
      degv[0].reshape(np_, 1), degv[1].reshape(np_, 1))

    return (n[:num_nodes], etop[:num_edges])

# --- scband reference (transcript-rebuilt; emitter-appended) ---
"""Pipeline reference for scband-tri-cl-8529805050068 (READ-ONLY COPY).

The authoritative reference and input builder live on the scoring server;
editing this copy changes nothing except your own understanding.
"""

import jax, jax.numpy as jnp
import numpy as np

NUM_NODES = 10000
NUM_EDGES = 10000
DIM = 128
NNZ = 320000


def setup_inputs(seed: int = 0) -> dict:
    key = jax.random.key(seed)
    k1, k2, k3, k4, k5 = jax.random.split(key, 5)
    x = jax.random.normal(k1, (NUM_NODES, DIM), dtype=jnp.float32)
    y = jax.random.normal(k2, (NUM_EDGES, DIM), dtype=jnp.float32)
    hyperedge_index = jax.random.randint(k3, (2, NNZ), 0, NUM_NODES)
    W1 = jax.random.normal(k4, (DIM, DIM), dtype=jnp.float32) * 0.05
    W2 = jax.random.normal(k5, (DIM, DIM), dtype=jnp.float32) * 0.05
    return {"x": x, "y": y, "hyperedge_index": hyperedge_index, "W1": W1, "W2": W2}


def reference(x, y, hyperedge_index, W1, W2):
    # TriCL.forward: append node self-loops as extra hyperedges, build incidence
    # H in (num_nodes, num_edges + num_nodes), run hypergraph encoder, return
    # node embeddings and the first num_edges hyperedge embeddings.
    num_nodes = x.shape[0]
    num_edges = y.shape[0]
    node_idx = jnp.arange(num_nodes)
    edge_idx = jnp.arange(num_edges, num_edges + num_nodes)
    self_loop = jnp.stack([node_idx, edge_idx])
    idx = jnp.concatenate([hyperedge_index, self_loop], axis=1)
    src = idx[0]  # node ids
    dst = idx[1]  # hyperedge ids
    E = num_edges + num_nodes
    ones = jnp.ones((src.shape[0],), dtype=jnp.float32)
    # node -> hyperedge aggregation (mean, mirrors D_e^{-1} H^T X W)
    deg_e = jnp.maximum(jax.ops.segment_sum(ones, dst, num_segments=E), 1.0)
    xw = x @ W1
    e_agg = jax.ops.segment_sum(xw[src], dst, num_segments=E) / deg_e[:, None]
    y_full = jnp.concatenate([y, x], axis=0)  # edge feats + self-loop node feats
    e = jax.nn.relu(e_agg + y_full)
    # hyperedge -> node aggregation (mean, mirrors D_v^{-1} H E W)
    deg_v = jnp.maximum(jax.ops.segment_sum(ones, src, num_segments=num_nodes), 1.0)
    ew = e @ W2
    n = jax.nn.relu(jax.ops.segment_sum(ew[dst], src, num_segments=num_nodes) / deg_v[:, None])
    return (n, e[:num_edges])

if __name__ == "__main__":
    import jax
    _d = setup_inputs()
    print(jax.jit(kernel)(*tuple(_d.values())))

</pallas_src>

<mosaic_0001>
#map = affine_map<(d0, d1) -> (0, 0)>
#map1 = affine_map<(d0, d1) -> (0)>
#map2 = affine_map<(d0, d1) -> (0, 0, 0)>
module attributes {stable_mosaic.version = 14 : i64} {
  func.func @body(%arg0: i32, %arg1: i32, %arg2: memref<10240x128xf32, #tpu.memory_space<hbm>>, %arg3: memref<2528x128xi32, #tpu.memory_space<hbm>>, %arg4: memref<2528x128xi32, #tpu.memory_space<hbm>>, %arg5: memref<10240x128xf32, #tpu.memory_space<hbm>>, %arg6: memref<10240xf32, #tpu.memory_space<hbm>>, %arg7: memref<2x10240x128xf32, #tpu.memory_space<hbm>>, %arg8: memref<2x10240xf32, #tpu.memory_space<hbm>>, %arg9: memref<2x10240xf32, #tpu.memory_space<hbm>>, %arg10: memref<79x128xi32, #tpu.memory_space<vmem>>, %arg11: memref<79x128xi32, #tpu.memory_space<vmem>>, %arg12: memref<128x128xf32, #tpu.memory_space<vmem>>, %arg13: memref<128xf32, #tpu.memory_space<vmem>>, %arg14: memref<10240x128xf32, #tpu.memory_space<vmem_shared>>, %arg15: memref<10240xf32, #tpu.memory_space<vmem_shared>>, %arg16: memref<10240xf32, #tpu.memory_space<vmem_shared>>, %arg17: memref<!tpu.dma_semaphore, #tpu.memory_space<semaphore_mem>>, %arg18: memref<!tpu.dma_semaphore, #tpu.memory_space<semaphore_mem>>) attributes {dimension_semantics = [#tpu.dimension_semantics<core_parallel>, #tpu.dimension_semantics<subcore_parallel>], iteration_bounds = array<i64: 2, 16>, scalar_prefetch = 0 : i64, scratch_operands = 9 : i64, tpu.core_type = #tpu.core_type<sc_vector_subcore>, window_params = [{transform_indices = #map}, {transform_indices = #map}, {transform_indices = #map}, {transform_indices = #map}, {transform_indices = #map1}, {transform_indices = #map2}, {transform_indices = #map}, {transform_indices = #map}]} {
    %mul3A = arith.constant 640 : i32
    %mul3A_0 = arith.muli %arg1, %mul3A : i32
    "tpu.region"() ({
      %run_scoped3A = tpu.sem_alloc : memref<!tpu.dma_semaphore, #tpu.memory_space<semaphore_mem>>
      %dma_start3A = arith.constant 0 : i32
      %dma_start3A_65 = tpu.memref_slice %arg14[%mul3A_0, %dma_start3A] : memref<10240x128xf32, #tpu.memory_space<vmem_shared>> -> memref<640x128xf32, #tpu.memory_space<vmem_shared>>
      %dma_start3A_66 = arith.constant 0 : i32
      %dma_start3A_67 = tpu.memref_slice %arg5[%mul3A_0, %dma_start3A_66] : memref<10240x128xf32, #tpu.memory_space<hbm>> -> memref<640x128xf32, #tpu.memory_space<hbm>>
      tpu.enqueue_dma source(%dma_start3A_67 : memref<640x128xf32, #tpu.memory_space<hbm>>) target(%dma_start3A_65 : memref<640x128xf32, #tpu.memory_space<vmem_shared>>) target_semaphore(%run_scoped3A : memref<!tpu.dma_semaphore, #tpu.memory_space<semaphore_mem>>)
      %dma_wait3A = arith.constant 0 : i32
      %dma_wait3A_68 = tpu.memref_slice %arg14[%mul3A_0, %dma_wait3A] : memref<10240x128xf32, #tpu.memory_space<vmem_shared>> -> memref<640x128xf32, #tpu.memory_space<vmem_shared>>
      %dma_wait3A_69 = arith.constant 0 : i32
      %dma_wait3A_70 = tpu.memref_slice %arg5[%mul3A_0, %dma_wait3A_69] : memref<10240x128xf32, #tpu.memory_space<hbm>> -> memref<640x128xf32, #tpu.memory_space<hbm>>
      tpu.wait_dma2 semaphore(%run_scoped3A : memref<!tpu.dma_semaphore, #tpu.memory_space<semaphore_mem>>) src(%dma_wait3A_70 : memref<640x128xf32, #tpu.memory_space<hbm>>) dst(%dma_wait3A_68 : memref<640x128xf32, #tpu.memory_space<vmem_shared>>)
      tpu.yield
    }) : () -> ()
    "tpu.region"() ({
      %run_scoped3A = tpu.sem_alloc : memref<!tpu.dma_semaphore, #tpu.memory_space<semaphore_mem>>
      %dma_start3A = tpu.memref_slice %arg15[%mul3A_0] : memref<10240xf32, #tpu.memory_space<vmem_shared>> -> memref<640xf32, #tpu.memory_space<vmem_shared>>
      %dma_start3A_65 = tpu.memref_slice %arg6[%mul3A_0] : memref<10240xf32, #tpu.memory_space<hbm>> -> memref<640xf32, #tpu.memory_space<hbm>>
      tpu.enqueue_dma source(%dma_start3A_65 : memref<640xf32, #tpu.memory_space<hbm>>) target(%dma_start3A : memref<640xf32, #tpu.memory_space<vmem_shared>>) target_semaphore(%run_scoped3A : memref<!tpu.dma_semaphore, #tpu.memory_space<semaphore_mem>>)
      %dma_wait3A = tpu.memref_slice %arg15[%mul3A_0] : memref<10240xf32, #tpu.memory_space<vmem_shared>> -> memref<640xf32, #tpu.memory_space<vmem_shared>>
      %dma_wait3A_66 = tpu.memref_slice %arg6[%mul3A_0] : memref<10240xf32, #tpu.memory_space<hbm>> -> memref<640xf32, #tpu.memory_space<hbm>>
      tpu.wait_dma2 semaphore(%run_scoped3A : memref<!tpu.dma_semaphore, #tpu.memory_space<semaphore_mem>>) src(%dma_wait3A_66 : memref<640xf32, #tpu.memory_space<hbm>>) dst(%dma_wait3A : memref<640xf32, #tpu.memory_space<vmem_shared>>)
      tpu.yield
    }) : () -> ()
    "tpu.region"() ({
      %run_scoped3A = tpu.sem_alloc : memref<!tpu.dma_semaphore, #tpu.memory_space<semaphore_mem>>
      %dma_start3A = tpu.memref_slice %arg16[%mul3A_0] : memref<10240xf32, #tpu.memory_space<vmem_shared>> -> memref<640xf32, #tpu.memory_space<vmem_shared>>
      %dma_start3A_65 = tpu.memref_slice %arg6[%mul3A_0] : memref<10240xf32, #tpu.memory_space<hbm>> -> memref<640xf32, #tpu.memory_space<hbm>>
      tpu.enqueue_dma source(%dma_start3A_65 : memref<640xf32, #tpu.memory_space<hbm>>) target(%dma_start3A : memref<640xf32, #tpu.memory_space<vmem_shared>>) target_semaphore(%run_scoped3A : memref<!tpu.dma_semaphore, #tpu.memory_space<semaphore_mem>>)
      %dma_wait3A = tpu.memref_slice %arg16[%mul3A_0] : memref<10240xf32, #tpu.memory_space<vmem_shared>> -> memref<640xf32, #tpu.memory_space<vmem_shared>>
      %dma_wait3A_66 = tpu.memref_slice %arg6[%mul3A_0] : memref<10240xf32, #tpu.memory_space<hbm>> -> memref<640xf32, #tpu.memory_space<hbm>>
      tpu.wait_dma2 semaphore(%run_scoped3A : memref<!tpu.dma_semaphore, #tpu.memory_space<semaphore_mem>>) src(%dma_wait3A_66 : memref<640xf32, #tpu.memory_space<hbm>>) dst(%dma_wait3A : memref<640xf32, #tpu.memory_space<vmem_shared>>)
      tpu.yield
    }) : () -> ()
    %broadcast_in_dim3A = arith.constant 1.000000e+00 : f32
    %broadcast_in_dim3A_1 = vector.broadcast %broadcast_in_dim3A : f32 to vector<16xf32>
    %swap3A = arith.constant 0 : index
    %swap3A_2 = tpu.vector_load %arg13[%swap3A] {strides = array<i32>} : memref<128xf32, #tpu.memory_space<vmem>>, vector<16xf32>,
    %swap3A_3 = vector.shape_cast %swap3A_2 : vector<16xf32> to vector<16xf32>
    %swap3A_4 = vector.shape_cast %broadcast_in_dim3A_1 : vector<16xf32> to vector<16xf32>
    tpu.vector_store %arg13[%swap3A], %swap3A_4 {strides = array<i32>} : memref<128xf32, #tpu.memory_space<vmem>>, vector<16xf32>,
    %broadcast_in_dim3A_5 = arith.constant 1.000000e+00 : f32
    %broadcast_in_dim3A_6 = vector.broadcast %broadcast_in_dim3A_5 : f32 to vector<16xf32>
    %swap3A_7 = arith.constant 16 : index
    %swap3A_8 = tpu.vector_load %arg13[%swap3A_7] {strides = array<i32>} : memref<128xf32, #tpu.memory_space<vmem>>, vector<16xf32>,
    %swap3A_9 = vector.shape_cast %swap3A_8 : vector<16xf32> to vector<16xf32>
    %swap3A_10 = vector.shape_cast %broadcast_in_dim3A_6 : vector<16xf32> to vector<16xf32>
    tpu.vector_store %arg13[%swap3A_7], %swap3A_10 {strides = array<i32>} : memref<128xf32, #tpu.memory_space<vmem>>, vector<16xf32>,
    %broadcast_in_dim3A_11 = arith.constant 1.000000e+00 : f32
    %broadcast_in_dim3A_12 = vector.broadcast %broadcast_in_dim3A_11 : f32 to vector<16xf32>
    %swap3A_13 = arith.constant 32 : index
    %swap3A_14 = tpu.vector_load %arg13[%swap3A_13] {strides = array<i32>} : memref<128xf32, #tpu.memory_space<vmem>>, vector<16xf32>,
    %swap3A_15 = vector.shape_cast %swap3A_14 : vector<16xf32> to vector<16xf32>
    %swap3A_16 = vector.shape_cast %broadcast_in_dim3A_12 : vector<16xf32> to vector<16xf32>
    tpu.vector_store %arg13[%swap3A_13], %swap3A_16 {strides = array<i32>} : memref<128xf32, #tpu.memory_space<vmem>>, vector<16xf32>,
    %broadcast_in_dim3A_17 = arith.constant 1.000000e+00 : f32
    %broadcast_in_dim3A_18 = vector.broadcast %broadcast_in_dim3A_17 : f32 to vector<16xf32>
    %swap3A_19 = arith.constant 48 : index
    %swap3A_20 = tpu.vector_load %arg13[%swap3A_19] {strides = array<i32>} : memref<128xf32, #tpu.memory_space<vmem>>, vector<16xf32>,
    %swap3A_21 = vector.shape_cast %swap3A_20 : vector<16xf32> to vector<16xf32>
    %swap3A_22 = vector.shape_cast %broadcast_in_dim3A_18 : vector<16xf32> to vector<16xf32>
    tpu.vector_store %arg13[%swap3A_19], %swap3A_22 {strides = array<i32>} : memref<128xf32, #tpu.memory_space<vmem>>, vector<16xf32>,
    %broadcast_in_dim3A_23 = arith.constant 1.000000e+00 : f32
    %broadcast_in_dim3A_24 = vector.broadcast %broadcast_in_dim3A_23 : f32 to vector<16xf32>
    %swap3A_25 = arith.constant 64 : index
    %swap3A_26 = tpu.vector_load %arg13[%swap3A_25] {strides = array<i32>} : memref<128xf32, #tpu.memory_space<vmem>>, vector<16xf32>,
    %swap3A_27 = vector.shape_cast %swap3A_26 : vector<16xf32> to vector<16xf32>
    %swap3A_28 = vector.shape_cast %broadcast_in_dim3A_24 : vector<16xf32> to vector<16xf32>
    tpu.vector_store %arg13[%swap3A_25], %swap3A_28 {strides = array<i32>} : memref<128xf32, #tpu.memory_space<vmem>>, vector<16xf32>,
    %broadcast_in_dim3A_29 = arith.constant 1.000000e+00 : f32
    %broadcast_in_dim3A_30 = vector.broadcast %broadcast_in_dim3A_29 : f32 to vector<16xf32>
    %swap3A_31 = arith.constant 80 : index
    %swap3A_32 = tpu.vector_load %arg13[%swap3A_31] {strides = array<i32>} : memref<128xf32, #tpu.memory_space<vmem>>, vector<16xf32>,
    %swap3A_33 = vector.shape_cast %swap3A_32 : vector<16xf32> to vector<16xf32>
    %swap3A_34 = vector.shape_cast %broadcast_in_dim3A_30 : vector<16xf32> to vector<16xf32>
    tpu.vector_store %arg13[%swap3A_31], %swap3A_34 {strides = array<i32>} : memref<128xf32, #tpu.memory_space<vmem>>, vector<16xf32>,
    %broadcast_in_dim3A_35 = arith.constant 1.000000e+00 : f32
    %broadcast_in_dim3A_36 = vector.broadcast %broadcast_in_dim3A_35 : f32 to vector<16xf32>
    %swap3A_37 = arith.constant 96 : index
    %swap3A_38 = tpu.vector_load %arg13[%swap3A_37] {strides = array<i32>} : memref<128xf32, #tpu.memory_space<vmem>>, vector<16xf32>,
    %swap3A_39 = vector.shape_cast %swap3A_38 : vector<16xf32> to vector<16xf32>
    %swap3A_40 = vector.shape_cast %broadcast_in_dim3A_36 : vector<16xf32> to vector<16xf32>
    tpu.vector_store %arg13[%swap3A_37], %swap3A_40 {strides = array<i32>} : memref<128xf32, #tpu.memory_space<vmem>>, vector<16xf32>,
    %broadcast_in_dim3A_41 = arith.constant 1.000000e+00 : f32
    %broadcast_in_dim3A_42 = vector.broadcast %broadcast_in_dim3A_41 : f32 to vector<16xf32>
    %swap3A_43 = arith.constant 112 : index
    %swap3A_44 = tpu.vector_load %arg13[%swap3A_43] {strides = array<i32>} : memref<128xf32, #tpu.memory_space<vmem>>, vector<16xf32>,
    %swap3A_45 = vector.shape_cast %swap3A_44 : vector<16xf32> to vector<16xf32>
    %swap3A_46 = vector.shape_cast %broadcast_in_dim3A_42 : vector<16xf32> to vector<16xf32>
    tpu.vector_store %arg13[%swap3A_43], %swap3A_46 {strides = array<i32>} : memref<128xf32, #tpu.memory_space<vmem>>, vector<16xf32>,
    %barrier3A = arith.constant 0 : index
    tpu.barrier barrier_id(%barrier3A)
    %mul3A_47 = arith.constant 2 : i32
    %mul3A_48 = arith.muli %arg1, %mul3A_47 : i32
    %add3A = arith.addi %mul3A_48, %arg0 : i32
    %mul3A_49 = arith.constant 79 : i32
    %mul3A_50 = arith.muli %add3A, %mul3A_49 : i32
    "tpu.region"() ({
      %run_scoped3A = tpu.sem_alloc : memref<!tpu.dma_semaphore, #tpu.memory_space<semaphore_mem>>
      %dma_start3A = arith.constant 0 : i32
      %dma_start3A_65 = tpu.memref_slice %arg3[%mul3A_50, %dma_start3A] : memref<2528x128xi32, #tpu.memory_space<hbm>> -> memref<79x128xi32, #tpu.memory_space<hbm>>
      %dma_start3A_66 = arith.constant 0 : i32
      %dma_start3A_67 = tpu.memref_slice %arg3[%mul3A_50, %dma_start3A_66] : memref<2528x128xi32, #tpu.memory_space<hbm>> -> memref<79x128xi32, #tpu.memory_space<hbm>>
      tpu.enqueue_dma source(%dma_start3A_67 : memref<79x128xi32, #tpu.memory_space<hbm>>) target(%arg10 : memref<79x128xi32, #tpu.memory_space<vmem>>) target_semaphore(%run_scoped3A : memref<!tpu.dma_semaphore, #tpu.memory_space<semaphore_mem>>)
      %dma_wait3A = arith.constant 0 : i32
      %dma_wait3A_68 = tpu.memref_slice %arg3[%mul3A_50, %dma_wait3A] : memref<2528x128xi32, #tpu.memory_space<hbm>> -> memref<79x128xi32, #tpu.memory_space<hbm>>
      %dma_wait3A_69 = arith.constant 0 : i32
      %dma_wait3A_70 = tpu.memref_slice %arg3[%mul3A_50, %dma_wait3A_69] : memref<2528x128xi32, #tpu.memory_space<hbm>> -> memref<79x128xi32, #tpu.memory_space<hbm>>
      tpu.wait_dma2 semaphore(%run_scoped3A : memref<!tpu.dma_semaphore, #tpu.memory_space<semaphore_mem>>) src(%dma_wait3A_70 : memref<79x128xi32, #tpu.memory_space<hbm>>) dst(%arg10 : memref<79x128xi32, #tpu.memory_space<vmem>>)
      tpu.yield
    }) : () -> ()
    %mul3A_51 = arith.constant 79 : i32
    %mul3A_52 = arith.muli %add3A, %mul3A_51 : i32
    "tpu.region"() ({
      %run_scoped3A = tpu.sem_alloc : memref<!tpu.dma_semaphore, #tpu.memory_space<semaphore_mem>>
      %dma_start3A = arith.constant 0 : i32
      %dma_start3A_65 = tpu.memref_slice %arg4[%mul3A_52, %dma_start3A] : memref<2528x128xi32, #tpu.memory_space<hbm>> -> memref<79x128xi32, #tpu.memory_space<hbm>>
      %dma_start3A_66 = arith.constant 0 : i32
      %dma_start3A_67 = tpu.memref_slice %arg4[%mul3A_52, %dma_start3A_66] : memref<2528x128xi32, #tpu.memory_space<hbm>> -> memref<79x128xi32, #tpu.memory_space<hbm>>
      tpu.enqueue_dma source(%dma_start3A_67 : memref<79x128xi32, #tpu.memory_space<hbm>>) target(%arg11 : memref<79x128xi32, #tpu.memory_space<vmem>>) target_semaphore(%run_scoped3A : memref<!tpu.dma_semaphore, #tpu.memory_space<semaphore_mem>>)
      %dma_wait3A = arith.constant 0 : i32
      %dma_wait3A_68 = tpu.memref_slice %arg4[%mul3A_52, %dma_wait3A] : memref<2528x128xi32, #tpu.memory_space<hbm>> -> memref<79x128xi32, #tpu.memory_space<hbm>>
      %dma_wait3A_69 = arith.constant 0 : i32
      %dma_wait3A_70 = tpu.memref_slice %arg4[%mul3A_52, %dma_wait3A_69] : memref<2528x128xi32, #tpu.memory_space<hbm>> -> memref<79x128xi32, #tpu.memory_space<hbm>>
      tpu.wait_dma2 semaphore(%run_scoped3A : memref<!tpu.dma_semaphore, #tpu.memory_space<semaphore_mem>>) src(%dma_wait3A_70 : memref<79x128xi32, #tpu.memory_space<hbm>>) dst(%arg11 : memref<79x128xi32, #tpu.memory_space<vmem>>)
      tpu.yield
    }) : () -> ()
    %scan3A = arith.constant 0 : i32
    %scan3A_53 = arith.constant 0 : i32
    %scan3A_54 = arith.constant 79 : i32
    %scan3A_55 = arith.addi %scan3A_53, %scan3A_54 : i32
    %scan3A_56 = arith.constant 1 : i32
    scf.for %scan3A_65 = %scan3A_53 to %scan3A_55 step %scan3A_56  : i32 {
      %dma_start3A = arith.constant 0 : i32
      %dma_start3A_66 = tpu.memref_slice %arg10[%scan3A_65, %dma_start3A] : memref<79x128xi32, #tpu.memory_space<vmem>> -> memref<1x128xi32, #tpu.memory_space<vmem>>
      %dma_start3A_67 = tpu.memref_squeeze %dma_start3A_66 : memref<1x128xi32, #tpu.memory_space<vmem>> -> memref<128xi32, #tpu.memory_space<vmem>>
      %dma_start3A_68 = arith.constant 0 : i32
      %dma_start3A_69 = arith.constant 0 : i32
      %dma_start3A_70 = tpu.memref_slice %arg2[%dma_start3A_68, %dma_start3A_69] : memref<10240x128xf32, #tpu.memory_space<hbm>> -> memref<10240x128xf32, #tpu.memory_space<hbm>>
      tpu.enqueue_indirect_dma source(%dma_start3A_70 : memref<10240x128xf32, #tpu.memory_space<hbm>>) target(%arg12 : memref<128x128xf32, #tpu.memory_space<vmem>>) offsets(%dma_start3A_67 : memref<128xi32, #tpu.memory_space<vmem>>) semaphore(%arg17 : memref<!tpu.dma_semaphore, #tpu.memory_space<semaphore_mem>>)
      %dma_wait3A = arith.constant 0 : i32
      %dma_wait3A_71 = tpu.memref_slice %arg10[%scan3A_65, %dma_wait3A] : memref<79x128xi32, #tpu.memory_space<vmem>> -> memref<1x128xi32, #tpu.memory_space<vmem>>
      %dma_wait3A_72 = tpu.memref_squeeze %dma_wait3A_71 : memref<1x128xi32, #tpu.memory_space<vmem>> -> memref<128xi32, #tpu.memory_space<vmem>>
      %dma_wait3A_73 = arith.constant 0 : i32
      %dma_wait3A_74 = arith.constant 0 : i32
      %dma_wait3A_75 = tpu.memref_slice %arg2[%dma_wait3A_73, %dma_wait3A_74] : memref<10240x128xf32, #tpu.memory_space<hbm>> -> memref<10240x128xf32, #tpu.memory_space<hbm>>
      tpu.wait_indirect_dma semaphore(%arg17 : memref<!tpu.dma_semaphore, #tpu.memory_space<semaphore_mem>>) src(%dma_wait3A_75 : memref<10240x128xf32, #tpu.memory_space<hbm>>) dst(%arg12 : memref<128x128xf32, #tpu.memory_space<vmem>>)
      "tpu.region"() ({
        %run_scoped3A = tpu.sem_alloc : memref<!tpu.dma_semaphore, #tpu.memory_space<semaphore_mem>>
        %dma_start3A_86 = arith.constant 0 : i32
        %dma_start3A_87 = tpu.memref_slice %arg11[%scan3A_65, %dma_start3A_86] : memref<79x128xi32, #tpu.memory_space<vmem>> -> memref<1x128xi32, #tpu.memory_space<vmem>>
        %dma_start3A_88 = tpu.memref_squeeze %dma_start3A_87 : memref<1x128xi32, #tpu.memory_space<vmem>> -> memref<128xi32, #tpu.memory_space<vmem>>
        %dma_start3A_89 = arith.constant 0 : i32
        %dma_start3A_90 = arith.constant 0 : i32
        %dma_start3A_91 = tpu.memref_slice %arg14[%dma_start3A_89, %dma_start3A_90] : memref<10240x128xf32, #tpu.memory_space<vmem_shared>> -> memref<10240x128xf32, #tpu.memory_space<vmem_shared>>
        tpu.enqueue_indirect_dma source(%arg12 : memref<128x128xf32, #tpu.memory_space<vmem>>) target(%dma_start3A_91 : memref<10240x128xf32, #tpu.memory_space<vmem_shared>>) offsets(%dma_start3A_88 : memref<128xi32, #tpu.memory_space<vmem>>) semaphore(%run_scoped3A : memref<!tpu.dma_semaphore, #tpu.memory_space<semaphore_mem>>) {add = true}
        %dma_wait3A_92 = arith.constant 0 : i32
        %dma_wait3A_93 = tpu.memref_slice %arg11[%scan3A_65, %dma_wait3A_92] : memref<79x128xi32, #tpu.memory_space<vmem>> -> memref<1x128xi32, #tpu.memory_space<vmem>>
        %dma_wait3A_94 = tpu.memref_squeeze %dma_wait3A_93 : memref<1x128xi32, #tpu.memory_space<vmem>> -> memref<128xi32, #tpu.memory_space<vmem>>
        %dma_wait3A_95 = arith.constant 0 : i32
        %dma_wait3A_96 = arith.constant 0 : i32
        %dma_wait3A_97 = tpu.memref_slice %arg14[%dma_wait3A_95, %dma_wait3A_96] : memref<10240x128xf32, #tpu.memory_space<vmem_shared>> -> memref<10240x128xf32, #tpu.memory_space<vmem_shared>>
        tpu.wait_indirect_dma semaphore(%run_scoped3A : memref<!tpu.dma_semaphore, #tpu.memory_space<semaphore_mem>>) src(%arg12 : memref<128x128xf32, #tpu.memory_space<vmem>>) dst(%dma_wait3A_97 : memref<10240x128xf32, #tpu.memory_space<vmem_shared>>)
        tpu.yield
      }) : () -> ()
      %dma_start3A_76 = arith.constant 0 : i32
      %dma_start3A_77 = tpu.memref_slice %arg11[%scan3A_65, %dma_start3A_76] : memref<79x128xi32, #tpu.memory_space<vmem>> -> memref<1x128xi32, #tpu.memory_space<vmem>>
      %dma_start3A_78 = tpu.memref_squeeze %dma_start3A_77 : memref<1x128xi32, #tpu.memory_space<vmem>> -> memref<128xi32, #tpu.memory_space<vmem>>
      %dma_start3A_79 = arith.constant 0 : i32
      %dma_start3A_80 = tpu.memref_slice %arg15[%dma_start3A_79] : memref<10240xf32, #tpu.memory_space<vmem_shared>> -> memref<10240xf32, #tpu.memory_space<vmem_shared>>
      tpu.enqueue_indirect_dma source(%arg13 : memref<128xf32, #tpu.memory_space<vmem>>) target(%dma_start3A_80 : memref<10240xf32, #tpu.memory_space<vmem_shared>>) offsets(%dma_start3A_78 : memref<128xi32, #tpu.memory_space<vmem>>) semaphore(%arg18 : memref<!tpu.dma_semaphore, #tpu.memory_space<semaphore_mem>>) {add = true}
      %dma_start3A_81 = arith.constant 0 : i32
      %dma_start3A_82 = tpu.memref_slice %arg10[%scan3A_65, %dma_start3A_81] : memref<79x128xi32, #tpu.memory_space<vmem>> -> memref<1x128xi32, #tpu.memory_space<vmem>>
      %dma_start3A_83 = tpu.memref_squeeze %dma_start3A_82 : memref<1x128xi32, #tpu.memory_space<vmem>> -> memref<128xi32, #tpu.memory_space<vmem>>
      %dma_start3A_84 = arith.constant 0 : i32
      %dma_start3A_85 = tpu.memref_slice %arg16[%dma_start3A_84] : memref<10240xf32, #tpu.memory_space<vmem_shared>> -> memref<10240xf32, #tpu.memory_space<vmem_shared>>
      tpu.enqueue_indirect_dma source(%arg13 : memref<128xf32, #tpu.memory_space<vmem>>) target(%dma_start3A_85 : memref<10240xf32, #tpu.memory_space<vmem_shared>>) offsets(%dma_start3A_83 : memref<128xi32, #tpu.memory_space<vmem>>) semaphore(%arg18 : memref<!tpu.dma_semaphore, #tpu.memory_space<semaphore_mem>>) {add = true}
    }
    %scan3A_57 = arith.constant 79 : i32
    %scan3A_58 = arith.constant 0 : i32
    %scan3A_59 = arith.constant 0 : i32
    %scan3A_60 = arith.constant 79 : i32
    %scan3A_61 = arith.addi %scan3A_59, %scan3A_60 : i32
    %scan3A_62 = arith.constant 1 : i32
    scf.for %scan3A_65 = %scan3A_59 to %scan3A_61 step %scan3A_62  : i32 {
      %dma_wait3A = arith.constant 0 : i32
      %dma_wait3A_66 = tpu.memref_slice %arg11[%scan3A_65, %dma_wait3A] : memref<79x128xi32, #tpu.memory_space<vmem>> -> memref<1x128xi32, #tpu.memory_space<vmem>>
      %dma_wait3A_67 = tpu.memref_squeeze %dma_wait3A_66 : memref<1x128xi32, #tpu.memory_space<vmem>> -> memref<128xi32, #tpu.memory_space<vmem>>
      %dma_wait3A_68 = arith.constant 0 : i32
      %dma_wait3A_69 = tpu.memref_slice %arg15[%dma_wait3A_68] : memref<10240xf32, #tpu.memory_space<vmem_shared>> -> memref<10240xf32, #tpu.memory_space<vmem_shared>>
      tpu.wait_indirect_dma semaphore(%arg18 : memref<!tpu.dma_semaphore, #tpu.memory_space<semaphore_mem>>) src(%arg13 : memref<128xf32, #tpu.memory_space<vmem>>) dst(%dma_wait3A_69 : memref<10240xf32, #tpu.memory_space<vmem_shared>>)
      %dma_wait3A_70 = arith.constant 0 : i32
      %dma_wait3A_71 = tpu.memref_slice %arg10[%scan3A_65, %dma_wait3A_70] : memref<79x128xi32, #tpu.memory_space<vmem>> -> memref<1x128xi32, #tpu.memory_space<vmem>>
      %dma_wait3A_72 = tpu.memref_squeeze %dma_wait3A_71 : memref<1x128xi32, #tpu.memory_space<vmem>> -> memref<128xi32, #tpu.memory_space<vmem>>
      %dma_wait3A_73 = arith.constant 0 : i32
      %dma_wait3A_74 = tpu.memref_slice %arg16[%dma_wait3A_73] : memref<10240xf32, #tpu.memory_space<vmem_shared>> -> memref<10240xf32, #tpu.memory_space<vmem_shared>>
      tpu.wait_indirect_dma semaphore(%arg18 : memref<!tpu.dma_semaphore, #tpu.memory_space<semaphore_mem>>) src(%arg13 : memref<128xf32, #tpu.memory_space<vmem>>) dst(%dma_wait3A_74 : memref<10240xf32, #tpu.memory_space<vmem_shared>>)
    }
    %scan3A_63 = arith.constant 79 : i32
    %barrier3A_64 = arith.constant 0 : index
    tpu.barrier barrier_id(%barrier3A_64)
    "tpu.region"() ({
      %run_scoped3A = tpu.sem_alloc : memref<!tpu.dma_semaphore, #tpu.memory_space<semaphore_mem>>
      %dma_start3A = arith.constant 0 : i32
      %dma_start3A_65 = tpu.memref_slice %arg7[%arg0, %mul3A_0, %dma_start3A] : memref<2x10240x128xf32, #tpu.memory_space<hbm>> -> memref<1x640x128xf32, #tpu.memory_space<hbm>>
      %dma_start3A_66 = tpu.memref_squeeze %dma_start3A_65 : memref<1x640x128xf32, #tpu.memory_space<hbm>> -> memref<640x128xf32, #tpu.memory_space<hbm>>
      %dma_start3A_67 = arith.constant 0 : i32
      %dma_start3A_68 = tpu.memref_slice %arg14[%mul3A_0, %dma_start3A_67] : memref<10240x128xf32, #tpu.memory_space<vmem_shared>> -> memref<640x128xf32, #tpu.memory_space<vmem_shared>>
      tpu.enqueue_dma source(%dma_start3A_68 : memref<640x128xf32, #tpu.memory_space<vmem_shared>>) target(%dma_start3A_66 : memref<640x128xf32, #tpu.memory_space<hbm>>) target_semaphore(%run_scoped3A : memref<!tpu.dma_semaphore, #tpu.memory_space<semaphore_mem>>)
      %dma_wait3A = arith.constant 0 : i32
      %dma_wait3A_69 = tpu.memref_slice %arg7[%arg0, %mul3A_0, %dma_wait3A] : memref<2x10240x128xf32, #tpu.memory_space<hbm>> -> memref<1x640x128xf32, #tpu.memory_space<hbm>>
      %dma_wait3A_70 = tpu.memref_squeeze %dma_wait3A_69 : memref<1x640x128xf32, #tpu.memory_space<hbm>> -> memref<640x128xf32, #tpu.memory_space<hbm>>
      %dma_wait3A_71 = arith.constant 0 : i32
      %dma_wait3A_72 = tpu.memref_slice %arg14[%mul3A_0, %dma_wait3A_71] : memref<10240x128xf32, #tpu.memory_space<vmem_shared>> -> memref<640x128xf32, #tpu.memory_space<vmem_shared>>
      tpu.wait_dma2 semaphore(%run_scoped3A : memref<!tpu.dma_semaphore, #tpu.memory_space<semaphore_mem>>) src(%dma_wait3A_72 : memref<640x128xf32, #tpu.memory_space<vmem_shared>>) dst(%dma_wait3A_70 : memref<640x128xf32, #tpu.memory_space<hbm>>)
      tpu.yield
    }) : () -> ()
    "tpu.region"() ({
      %run_scoped3A = tpu.sem_alloc : memref<!tpu.dma_semaphore, #tpu.memory_space<semaphore_mem>>
      %dma_start3A = tpu.memref_slice %arg8[%arg0, %mul3A_0] : memref<2x10240xf32, #tpu.memory_space<hbm>> -> memref<1x640xf32, #tpu.memory_space<hbm>>
      %dma_start3A_65 = tpu.memref_squeeze %dma_start3A : memref<1x640xf32, #tpu.memory_space<hbm>> -> memref<640xf32, #tpu.memory_space<hbm>>
      %dma_start3A_66 = tpu.memref_slice %arg15[%mul3A_0] : memref<10240xf32, #tpu.memory_space<vmem_shared>> -> memref<640xf32, #tpu.memory_space<vmem_shared>>
      tpu.enqueue_dma source(%dma_start3A_66 : memref<640xf32, #tpu.memory_space<vmem_shared>>) target(%dma_start3A_65 : memref<640xf32, #tpu.memory_space<hbm>>) target_semaphore(%run_scoped3A : memref<!tpu.dma_semaphore, #tpu.memory_space<semaphore_mem>>)
      %dma_wait3A = tpu.memref_slice %arg8[%arg0, %mul3A_0] : memref<2x10240xf32, #tpu.memory_space<hbm>> -> memref<1x640xf32, #tpu.memory_space<hbm>>
      %dma_wait3A_67 = tpu.memref_squeeze %dma_wait3A : memref<1x640xf32, #tpu.memory_space<hbm>> -> memref<640xf32, #tpu.memory_space<hbm>>
      %dma_wait3A_68 = tpu.memref_slice %arg15[%mul3A_0] : memref<10240xf32, #tpu.memory_space<vmem_shared>> -> memref<640xf32, #tpu.memory_space<vmem_shared>>
      tpu.wait_dma2 semaphore(%run_scoped3A : memref<!tpu.dma_semaphore, #tpu.memory_space<semaphore_mem>>) src(%dma_wait3A_68 : memref<640xf32, #tpu.memory_space<vmem_shared>>) dst(%dma_wait3A_67 : memref<640xf32, #tpu.memory_space<hbm>>)
      tpu.yield
    }) : () -> ()
    "tpu.region"() ({
      %run_scoped3A = tpu.sem_alloc : memref<!tpu.dma_semaphore, #tpu.memory_space<semaphore_mem>>
      %dma_start3A = tpu.memref_slice %arg9[%arg0, %mul3A_0] : memref<2x10240xf32, #tpu.memory_space<hbm>> -> memref<1x640xf32, #tpu.memory_space<hbm>>
      %dma_start3A_65 = tpu.memref_squeeze %dma_start3A : memref<1x640xf32, #tpu.memory_space<hbm>> -> memref<640xf32, #tpu.memory_space<hbm>>
      %dma_start3A_66 = tpu.memref_slice %arg16[%mul3A_0] : memref<10240xf32, #tpu.memory_space<vmem_shared>> -> memref<640xf32, #tpu.memory_space<vmem_shared>>
      tpu.enqueue_dma source(%dma_start3A_66 : memref<640xf32, #tpu.memory_space<vmem_shared>>) target(%dma_start3A_65 : memref<640xf32, #tpu.memory_space<hbm>>) target_semaphore(%run_scoped3A : memref<!tpu.dma_semaphore, #tpu.memory_space<semaphore_mem>>)
      %dma_wait3A = tpu.memref_slice %arg9[%arg0, %mul3A_0] : memref<2x10240xf32, #tpu.memory_space<hbm>> -> memref<1x640xf32, #tpu.memory_space<hbm>>
      %dma_wait3A_67 = tpu.memref_squeeze %dma_wait3A : memref<1x640xf32, #tpu.memory_space<hbm>> -> memref<640xf32, #tpu.memory_space<hbm>>
      %dma_wait3A_68 = tpu.memref_slice %arg16[%mul3A_0] : memref<10240xf32, #tpu.memory_space<vmem_shared>> -> memref<640xf32, #tpu.memory_space<vmem_shared>>
      tpu.wait_dma2 semaphore(%run_scoped3A : memref<!tpu.dma_semaphore, #tpu.memory_space<semaphore_mem>>) src(%dma_wait3A_68 : memref<640xf32, #tpu.memory_space<vmem_shared>>) dst(%dma_wait3A_67 : memref<640xf32, #tpu.memory_space<hbm>>)
      tpu.yield
    }) : () -> ()
    return
  }
}

#map = affine_map<(d0, d1) -> (0, 0)>
#map1 = affine_map<(d0, d1) -> (0, 0, 0)>
module attributes {stable_mosaic.version = 14 : i64} {
  func.func @body(%arg0: i32, %arg1: i32, %arg2: memref<10240x128xf32, #tpu.memory_space<hbm>>, %arg3: memref<2528x128xi32, #tpu.memory_space<hbm>>, %arg4: memref<2528x128xi32, #tpu.memory_space<hbm>>, %arg5: memref<10240x128xf32, #tpu.memory_space<hbm>>, %arg6: memref<2x10240x128xf32, #tpu.memory_space<hbm>>, %arg7: memref<79x128xi32, #tpu.memory_space<vmem>>, %arg8: memref<79x128xi32, #tpu.memory_space<vmem>>, %arg9: memref<128x128xf32, #tpu.memory_space<vmem>>, %arg10: memref<10240x128xf32, #tpu.memory_space<vmem_shared>>, %arg11: memref<!tpu.dma_semaphore, #tpu.memory_space<semaphore_mem>>) attributes {dimension_semantics = [#tpu.dimension_semantics<core_parallel>, #tpu.dimension_semantics<subcore_parallel>], iteration_bounds = array<i64: 2, 16>, scalar_prefetch = 0 : i64, scratch_operands = 5 : i64, tpu.core_type = #tpu.core_type<sc_vector_subcore>, window_params = [{transform_indices = #map}, {transform_indices = #map}, {transform_indices = #map}, {transform_indices = #map}, {transform_indices = #map1}]} {
    %mul3A = arith.constant 640 : i32
    %mul3A_0 = arith.muli %arg1, %mul3A : i32
    "tpu.region"() ({
      %run_scoped3A = tpu.sem_alloc : memref<!tpu.dma_semaphore, #tpu.memory_space<semaphore_mem>>
      %dma_start3A = arith.constant 0 : i32
      %dma_start3A_13 = tpu.memref_slice %arg10[%mul3A_0, %dma_start3A] : memref<10240x128xf32, #tpu.memory_space<vmem_shared>> -> memref<640x128xf32, #tpu.memory_space<vmem_shared>>
      %dma_start3A_14 = arith.constant 0 : i32
      %dma_start3A_15 = tpu.memref_slice %arg5[%mul3A_0, %dma_start3A_14] : memref<10240x128xf32, #tpu.memory_space<hbm>> -> memref<640x128xf32, #tpu.memory_space<hbm>>
      tpu.enqueue_dma source(%dma_start3A_15 : memref<640x128xf32, #tpu.memory_space<hbm>>) target(%dma_start3A_13 : memref<640x128xf32, #tpu.memory_space<vmem_shared>>) target_semaphore(%run_scoped3A : memref<!tpu.dma_semaphore, #tpu.memory_space<semaphore_mem>>)
      %dma_wait3A = arith.constant 0 : i32
      %dma_wait3A_16 = tpu.memref_slice %arg10[%mul3A_0, %dma_wait3A] : memref<10240x128xf32, #tpu.memory_space<vmem_shared>> -> memref<640x128xf32, #tpu.memory_space<vmem_shared>>
      %dma_wait3A_17 = arith.constant 0 : i32
      %dma_wait3A_18 = tpu.memref_slice %arg5[%mul3A_0, %dma_wait3A_17] : memref<10240x128xf32, #tpu.memory_space<hbm>> -> memref<640x128xf32, #tpu.memory_space<hbm>>
      tpu.wait_dma2 semaphore(%run_scoped3A : memref<!tpu.dma_semaphore, #tpu.memory_space<semaphore_mem>>) src(%dma_wait3A_18 : memref<640x128xf32, #tpu.memory_space<hbm>>) dst(%dma_wait3A_16 : memref<640x128xf32, #tpu.memory_space<vmem_shared>>)
      tpu.yield
    }) : () -> ()
    %barrier3A = arith.constant 0 : index
    tpu.barrier barrier_id(%barrier3A)
    %mul3A_1 = arith.constant 2 : i32
    %mul3A_2 = arith.muli %arg1, %mul3A_1 : i32
    %add3A = arith.addi %mul3A_2, %arg0 : i32
    %mul3A_3 = arith.constant 79 : i32
    %mul3A_4 = arith.muli %add3A, %mul3A_3 : i32
    "tpu.region"() ({
      %run_scoped3A = tpu.sem_alloc : memref<!tpu.dma_semaphore, #tpu.memory_space<semaphore_mem>>
      %dma_start3A = arith.constant 0 : i32
      %dma_start3A_13 = tpu.memref_slice %arg3[%mul3A_4, %dma_start3A] : memref<2528x128xi32, #tpu.memory_space<hbm>> -> memref<79x128xi32, #tpu.memory_space<hbm>>
      %dma_start3A_14 = arith.constant 0 : i32
      %dma_start3A_15 = tpu.memref_slice %arg3[%mul3A_4, %dma_start3A_14] : memref<2528x128xi32, #tpu.memory_space<hbm>> -> memref<79x128xi32, #tpu.memory_space<hbm>>
      tpu.enqueue_dma source(%dma_start3A_15 : memref<79x128xi32, #tpu.memory_space<hbm>>) target(%arg7 : memref<79x128xi32, #tpu.memory_space<vmem>>) target_semaphore(%run_scoped3A : memref<!tpu.dma_semaphore, #tpu.memory_space<semaphore_mem>>)
      %dma_wait3A = arith.constant 0 : i32
      %dma_wait3A_16 = tpu.memref_slice %arg3[%mul3A_4, %dma_wait3A] : memref<2528x128xi32, #tpu.memory_space<hbm>> -> memref<79x128xi32, #tpu.memory_space<hbm>>
      %dma_wait3A_17 = arith.constant 0 : i32
      %dma_wait3A_18 = tpu.memref_slice %arg3[%mul3A_4, %dma_wait3A_17] : memref<2528x128xi32, #tpu.memory_space<hbm>> -> memref<79x128xi32, #tpu.memory_space<hbm>>
      tpu.wait_dma2 semaphore(%run_scoped3A : memref<!tpu.dma_semaphore, #tpu.memory_space<semaphore_mem>>) src(%dma_wait3A_18 : memref<79x128xi32, #tpu.memory_space<hbm>>) dst(%arg7 : memref<79x128xi32, #tpu.memory_space<vmem>>)
      tpu.yield
    }) : () -> ()
    %mul3A_5 = arith.constant 79 : i32
    %mul3A_6 = arith.muli %add3A, %mul3A_5 : i32
    "tpu.region"() ({
      %run_scoped3A = tpu.sem_alloc : memref<!tpu.dma_semaphore, #tpu.memory_space<semaphore_mem>>
      %dma_start3A = arith.constant 0 : i32
      %dma_start3A_13 = tpu.memref_slice %arg4[%mul3A_6, %dma_start3A] : memref<2528x128xi32, #tpu.memory_space<hbm>> -> memref<79x128xi32, #tpu.memory_space<hbm>>
      %dma_start3A_14 = arith.constant 0 : i32
      %dma_start3A_15 = tpu.memref_slice %arg4[%mul3A_6, %dma_start3A_14] : memref<2528x128xi32, #tpu.memory_space<hbm>> -> memref<79x128xi32, #tpu.memory_space<hbm>>
      tpu.enqueue_dma source(%dma_start3A_15 : memref<79x128xi32, #tpu.memory_space<hbm>>) target(%arg8 : memref<79x128xi32, #tpu.memory_space<vmem>>) target_semaphore(%run_scoped3A : memref<!tpu.dma_semaphore, #tpu.memory_space<semaphore_mem>>)
      %dma_wait3A = arith.constant 0 : i32
      %dma_wait3A_16 = tpu.memref_slice %arg4[%mul3A_6, %dma_wait3A] : memref<2528x128xi32, #tpu.memory_space<hbm>> -> memref<79x128xi32, #tpu.memory_space<hbm>>
      %dma_wait3A_17 = arith.constant 0 : i32
      %dma_wait3A_18 = tpu.memref_slice %arg4[%mul3A_6, %dma_wait3A_17] : memref<2528x128xi32, #tpu.memory_space<hbm>> -> memref<79x128xi32, #tpu.memory_space<hbm>>
      tpu.wait_dma2 semaphore(%run_scoped3A : memref<!tpu.dma_semaphore, #tpu.memory_space<semaphore_mem>>) src(%dma_wait3A_18 : memref<79x128xi32, #tpu.memory_space<hbm>>) dst(%arg8 : memref<79x128xi32, #tpu.memory_space<vmem>>)
      tpu.yield
    }) : () -> ()
    %scan3A = arith.constant 0 : i32
    %scan3A_7 = arith.constant 0 : i32
    %scan3A_8 = arith.constant 79 : i32
    %scan3A_9 = arith.addi %scan3A_7, %scan3A_8 : i32
    %scan3A_10 = arith.constant 1 : i32
    scf.for %scan3A_13 = %scan3A_7 to %scan3A_9 step %scan3A_10  : i32 {
      %dma_start3A = arith.constant 0 : i32
      %dma_start3A_14 = tpu.memref_slice %arg8[%scan3A_13, %dma_start3A] : memref<79x128xi32, #tpu.memory_space<vmem>> -> memref<1x128xi32, #tpu.memory_space<vmem>>
      %dma_start3A_15 = tpu.memref_squeeze %dma_start3A_14 : memref<1x128xi32, #tpu.memory_space<vmem>> -> memref<128xi32, #tpu.memory_space<vmem>>
      %dma_start3A_16 = arith.constant 0 : i32
      %dma_start3A_17 = arith.constant 0 : i32
      %dma_start3A_18 = tpu.memref_slice %arg2[%dma_start3A_16, %dma_start3A_17] : memref<10240x128xf32, #tpu.memory_space<hbm>> -> memref<10240x128xf32, #tpu.memory_space<hbm>>
      tpu.enqueue_indirect_dma source(%dma_start3A_18 : memref<10240x128xf32, #tpu.memory_space<hbm>>) target(%arg9 : memref<128x128xf32, #tpu.memory_space<vmem>>) offsets(%dma_start3A_15 : memref<128xi32, #tpu.memory_space<vmem>>) semaphore(%arg11 : memref<!tpu.dma_semaphore, #tpu.memory_space<semaphore_mem>>)
      %dma_wait3A = arith.constant 0 : i32
      %dma_wait3A_19 = tpu.memref_slice %arg8[%scan3A_13, %dma_wait3A] : memref<79x128xi32, #tpu.memory_space<vmem>> -> memref<1x128xi32, #tpu.memory_space<vmem>>
      %dma_wait3A_20 = tpu.memref_squeeze %dma_wait3A_19 : memref<1x128xi32, #tpu.memory_space<vmem>> -> memref<128xi32, #tpu.memory_space<vmem>>
      %dma_wait3A_21 = arith.constant 0 : i32
      %dma_wait3A_22 = arith.constant 0 : i32
      %dma_wait3A_23 = tpu.memref_slice %arg2[%dma_wait3A_21, %dma_wait3A_22] : memref<10240x128xf32, #tpu.memory_space<hbm>> -> memref<10240x128xf32, #tpu.memory_space<hbm>>
      tpu.wait_indirect_dma semaphore(%arg11 : memref<!tpu.dma_semaphore, #tpu.memory_space<semaphore_mem>>) src(%dma_wait3A_23 : memref<10240x128xf32, #tpu.memory_space<hbm>>) dst(%arg9 : memref<128x128xf32, #tpu.memory_space<vmem>>)
      "tpu.region"() ({
        %run_scoped3A = tpu.sem_alloc : memref<!tpu.dma_semaphore, #tpu.memory_space<semaphore_mem>>
        %dma_start3A_24 = arith.constant 0 : i32
        %dma_start3A_25 = tpu.memref_slice %arg7[%scan3A_13, %dma_start3A_24] : memref<79x128xi32, #tpu.memory_space<vmem>> -> memref<1x128xi32, #tpu.memory_space<vmem>>
        %dma_start3A_26 = tpu.memref_squeeze %dma_start3A_25 : memref<1x128xi32, #tpu.memory_space<vmem>> -> memref<128xi32, #tpu.memory_space<vmem>>
        %dma_start3A_27 = arith.constant 0 : i32
        %dma_start3A_28 = arith.constant 0 : i32
        %dma_start3A_29 = tpu.memref_slice %arg10[%dma_start3A_27, %dma_start3A_28] : memref<10240x128xf32, #tpu.memory_space<vmem_shared>> -> memref<10240x128xf32, #tpu.memory_space<vmem_shared>>
        tpu.enqueue_indirect_dma source(%arg9 : memref<128x128xf32, #tpu.memory_space<vmem>>) target(%dma_start3A_29 : memref<10240x128xf32, #tpu.memory_space<vmem_shared>>) offsets(%dma_start3A_26 : memref<128xi32, #tpu.memory_space<vmem>>) semaphore(%run_scoped3A : memref<!tpu.dma_semaphore, #tpu.memory_space<semaphore_mem>>) {add = true}
        %dma_wait3A_30 = arith.constant 0 : i32
        %dma_wait3A_31 = tpu.memref_slice %arg7[%scan3A_13, %dma_wait3A_30] : memref<79x128xi32, #tpu.memory_space<vmem>> -> memref<1x128xi32, #tpu.memory_space<vmem>>
        %dma_wait3A_32 = tpu.memref_squeeze %dma_wait3A_31 : memref<1x128xi32, #tpu.memory_space<vmem>> -> memref<128xi32, #tpu.memory_space<vmem>>
        %dma_wait3A_33 = arith.constant 0 : i32
        %dma_wait3A_34 = arith.constant 0 : i32
        %dma_wait3A_35 = tpu.memref_slice %arg10[%dma_wait3A_33, %dma_wait3A_34] : memref<10240x128xf32, #tpu.memory_space<vmem_shared>> -> memref<10240x128xf32, #tpu.memory_space<vmem_shared>>
        tpu.wait_indirect_dma semaphore(%run_scoped3A : memref<!tpu.dma_semaphore, #tpu.memory_space<semaphore_mem>>) src(%arg9 : memref<128x128xf32, #tpu.memory_space<vmem>>) dst(%dma_wait3A_35 : memref<10240x128xf32, #tpu.memory_space<vmem_shared>>)
        tpu.yield
      }) : () -> ()
    }
    %scan3A_11 = arith.constant 79 : i32
    %barrier3A_12 = arith.constant 0 : index
    tpu.barrier barrier_id(%barrier3A_12)
    "tpu.region"() ({
      %run_scoped3A = tpu.sem_alloc : memref<!tpu.dma_semaphore, #tpu.memory_space<semaphore_mem>>
      %dma_start3A = arith.constant 0 : i32
      %dma_start3A_13 = tpu.memref_slice %arg6[%arg0, %mul3A_0, %dma_start3A] : memref<2x10240x128xf32, #tpu.memory_space<hbm>> -> memref<1x640x128xf32, #tpu.memory_space<hbm>>
      %dma_start3A_14 = tpu.memref_squeeze %dma_start3A_13 : memref<1x640x128xf32, #tpu.memory_space<hbm>> -> memref<640x128xf32, #tpu.memory_space<hbm>>
      %dma_start3A_15 = arith.constant 0 : i32
      %dma_start3A_16 = tpu.memref_slice %arg10[%mul3A_0, %dma_start3A_15] : memref<10240x128xf32, #tpu.memory_space<vmem_shared>> -> memref<640x128xf32, #tpu.memory_space<vmem_shared>>
      tpu.enqueue_dma source(%dma_start3A_16 : memref<640x128xf32, #tpu.memory_space<vmem_shared>>) target(%dma_start3A_14 : memref<640x128xf32, #tpu.memory_space<hbm>>) target_semaphore(%run_scoped3A : memref<!tpu.dma_semaphore, #tpu.memory_space<semaphore_mem>>)
      %dma_wait3A = arith.constant 0 : i32
      %dma_wait3A_17 = tpu.memref_slice %arg6[%arg0, %mul3A_0, %dma_wait3A] : memref<2x10240x128xf32, #tpu.memory_space<hbm>> -> memref<1x640x128xf32, #tpu.memory_space<hbm>>
      %dma_wait3A_18 = tpu.memref_squeeze %dma_wait3A_17 : memref<1x640x128xf32, #tpu.memory_space<hbm>> -> memref<640x128xf32, #tpu.memory_space<hbm>>
      %dma_wait3A_19 = arith.constant 0 : i32
      %dma_wait3A_20 = tpu.memref_slice %arg10[%mul3A_0, %dma_wait3A_19] : memref<10240x128xf32, #tpu.memory_space<vmem_shared>> -> memref<640x128xf32, #tpu.memory_space<vmem_shared>>
      tpu.wait_dma2 semaphore(%run_scoped3A : memref<!tpu.dma_semaphore, #tpu.memory_space<semaphore_mem>>) src(%dma_wait3A_20 : memref<640x128xf32, #tpu.memory_space<vmem_shared>>) dst(%dma_wait3A_18 : memref<640x128xf32, #tpu.memory_space<hbm>>)
      tpu.yield
    }) : () -> ()
    return
  }
}

module attributes {stable_mosaic.version = 14 : i64} {
  func.func @_mm_a(%arg0: i32, %arg1: memref<2048x128xf32, #tpu.memory_space<vmem>>, %arg2: memref<128x128xf32, #tpu.memory_space<vmem>>, %arg3: memref<2048x128xf32, #tpu.memory_space<vmem>>) attributes {dimension_semantics = [#tpu.dimension_semantics<arbitrary>], iteration_bounds = array<i64: 5>, scalar_prefetch = 0 : i64, scratch_operands = 0 : i64, tpu.core_type = #tpu.core_type<tc>, window_params = [{transform_indices = @transform_0, window_bounds = array<i64: 2048, 128>}, {pipeline_mode = #tpu.pipeline_mode<synchronous>, transform_indices = @transform_1, window_bounds = array<i64: 128, 128>}, {transform_indices = @transform_2, window_bounds = array<i64: 2048, 128>}]} {
    %get3A = arith.constant 0 : index
    %get3A_0 = arith.constant 0 : index
    %get3A_1 = vector.load %arg1[%get3A, %get3A_0] : memref<2048x128xf32, #tpu.memory_space<vmem>>, vector<2048x128xf32>
    %get3A_2 = arith.constant 0 : index
    %get3A_3 = arith.constant 0 : index
    %get3A_4 = vector.load %arg2[%get3A_2, %get3A_3] : memref<128x128xf32, #tpu.memory_space<vmem>>, vector<128x128xf32>
    %dot_general3A = arith.constant dense<0.000000e+00> : vector<2048x128xf32>
    %dot_general3A_5 = tpu.matmul %get3A_1, %get3A_4, %dot_general3A {dimension_numbers = #tpu.dot_dimension_numbers<[1], [0], [0], [1], [0, 0, 1, 1], [], []>, transpose_lhs_hint = false} : vector<2048x128xf32>, vector<128x128xf32>, vector<2048x128xf32> -> vector<2048x128xf32>
    %swap3A = arith.constant 0 : index
    %swap3A_6 = arith.constant 0 : index
    %swap3A_7 = vector.load %arg3[%swap3A, %swap3A_6] : memref<2048x128xf32, #tpu.memory_space<vmem>>, vector<2048x128xf32>
    tpu.vector_store %arg3[%swap3A, %swap3A_6], %dot_general3A_5 {strides = array<i32>} : memref<2048x128xf32, #tpu.memory_space<vmem>>, vector<2048x128xf32>,
    return
  }
  func.func @transform_0(%arg0: i32) -> (i32, i32) {
    %c0_i32 = arith.constant 0 : i32
    %c0_i32_0 = arith.constant 0 : i32
    return %arg0, %c0_i32 : i32, i32
  }
  func.func @transform_1(%arg0: i32) -> (i32, i32) {
    %c0_i32 = arith.constant 0 : i32
    %c0_i32_0 = arith.constant 0 : i32
    %c0_i32_1 = arith.constant 0 : i32
    return %c0_i32, %c0_i32_0 : i32, i32
  }
  func.func @transform_2(%arg0: i32) -> (i32, i32) {
    %c0_i32 = arith.constant 0 : i32
    %c0_i32_0 = arith.constant 0 : i32
    return %arg0, %c0_i32 : i32, i32
  }
}

module attributes {stable_mosaic.version = 14 : i64} {
  func.func @_stage_b(%arg0: i32, %arg1: memref<2048x128xf32, #tpu.memory_space<vmem>>, %arg2: memref<2048x128xf32, #tpu.memory_space<vmem>>, %arg3: memref<2048x1xf32, #tpu.memory_space<vmem>>, %arg4: memref<2048x1xf32, #tpu.memory_space<vmem>>, %arg5: memref<2048x128xf32, #tpu.memory_space<vmem>>, %arg6: memref<2048x128xf32, #tpu.memory_space<vmem>>, %arg7: memref<2048x128xf32, #tpu.memory_space<vmem>>, %arg8: memref<128x128xf32, #tpu.memory_space<vmem>>, %arg9: memref<2048x128xf32, #tpu.memory_space<vmem>>, %arg10: memref<2048x128xf32, #tpu.memory_space<vmem>>, %arg11: memref<2048x128xf32, #tpu.memory_space<vmem>>) attributes {dimension_semantics = [#tpu.dimension_semantics<arbitrary>], iteration_bounds = array<i64: 5>, scalar_prefetch = 0 : i64, scratch_operands = 0 : i64, tpu.core_type = #tpu.core_type<tc>, window_params = [{transform_indices = @transform_0, window_bounds = array<i64: 2048, 128>}, {transform_indices = @transform_1, window_bounds = array<i64: 2048, 128>}, {transform_indices = @transform_2, window_bounds = array<i64: 2048, 1>}, {transform_indices = @transform_3, window_bounds = array<i64: 2048, 1>}, {transform_indices = @transform_4, window_bounds = array<i64: 2048, 128>}, {transform_indices = @transform_5, window_bounds = array<i64: 2048, 128>}, {transform_indices = @transform_6, window_bounds = array<i64: 2048, 128>}, {pipeline_mode = #tpu.pipeline_mode<synchronous>, transform_indices = @transform_7, window_bounds = array<i64: 128, 128>}, {transform_indices = @transform_8, window_bounds = array<i64: 2048, 128>}, {transform_indices = @transform_9, window_bounds = array<i64: 2048, 128>}, {transform_indices = @transform_10, window_bounds = array<i64: 2048, 128>}]} {
    %get3A = arith.constant 0 : index
    %get3A_0 = arith.constant 0 : index
    %get3A_1 = vector.load %arg3[%get3A, %get3A_0] : memref<2048x1xf32, #tpu.memory_space<vmem>>, vector<2048x1xf32>
    %get3A_2 = arith.constant 0 : index
    %get3A_3 = arith.constant 0 : index
    %get3A_4 = vector.load %arg4[%get3A_2, %get3A_3] : memref<2048x1xf32, #tpu.memory_space<vmem>>, vector<2048x1xf32>
    %add3A = arith.addf %get3A_1, %get3A_4 : vector<2048x1xf32>
    %max3A = arith.constant 1.000000e+00 : f32
    %max3A_5 = vector.broadcast %max3A : f32 to vector<2048x1xf32>
    %max3A_6 = arith.maximumf %add3A, %max3A_5 : vector<2048x1xf32>
    %get3A_7 = arith.constant 0 : index
    %get3A_8 = arith.constant 0 : index
    %get3A_9 = vector.load %arg1[%get3A_7, %get3A_8] : memref<2048x128xf32, #tpu.memory_space<vmem>>, vector<2048x128xf32>
    %get3A_10 = arith.constant 0 : index
    %get3A_11 = arith.constant 0 : index
    %get3A_12 = vector.load %arg2[%get3A_10, %get3A_11] : memref<2048x128xf32, #tpu.memory_space<vmem>>, vector<2048x128xf32>
    %add3A_13 = arith.addf %get3A_9, %get3A_12 : vector<2048x128xf32>
    %div3A = vector.broadcast %max3A_6 : vector<2048x1xf32> to vector<2048x128xf32>
    %div3A_14 = arith.divf %add3A_13, %div3A : vector<2048x128xf32>
    %get3A_15 = arith.constant 0 : index
    %get3A_16 = arith.constant 0 : index
    %get3A_17 = vector.load %arg5[%get3A_15, %get3A_16] : memref<2048x128xf32, #tpu.memory_space<vmem>>, vector<2048x128xf32>
    %add3A_18 = arith.addf %div3A_14, %get3A_17 : vector<2048x128xf32>
    %max3A_19 = arith.constant 0.000000e+00 : f32
    %max3A_20 = vector.broadcast %max3A_19 : f32 to vector<2048x128xf32>
    %max3A_21 = arith.maximumf %add3A_18, %max3A_20 : vector<2048x128xf32>
    %swap3A = arith.constant 0 : index
    %swap3A_22 = arith.constant 0 : index
    %swap3A_23 = vector.load %arg9[%swap3A, %swap3A_22] : memref<2048x128xf32, #tpu.memory_space<vmem>>, vector<2048x128xf32>
    tpu.vector_store %arg9[%swap3A, %swap3A_22], %max3A_21 {strides = array<i32>} : memref<2048x128xf32, #tpu.memory_space<vmem>>, vector<2048x128xf32>,
    %get3A_24 = arith.constant 0 : index
    %get3A_25 = arith.constant 0 : index
    %get3A_26 = vector.load %arg8[%get3A_24, %get3A_25] : memref<128x128xf32, #tpu.memory_space<vmem>>, vector<128x128xf32>
    %dot_general3A = arith.constant dense<0.000000e+00> : vector<2048x128xf32>
    %dot_general3A_27 = tpu.matmul %max3A_21, %get3A_26, %dot_general3A {dimension_numbers = #tpu.dot_dimension_numbers<[1], [0], [0], [1], [0, 0, 1, 1], [], []>, transpose_lhs_hint = false} : vector<2048x128xf32>, vector<128x128xf32>, vector<2048x128xf32> -> vector<2048x128xf32>
    %swap3A_28 = arith.constant 0 : index
    %swap3A_29 = arith.constant 0 : index
    %swap3A_30 = vector.load %arg10[%swap3A_28, %swap3A_29] : memref<2048x128xf32, #tpu.memory_space<vmem>>, vector<2048x128xf32>
    tpu.vector_store %arg10[%swap3A_28, %swap3A_29], %dot_general3A_27 {strides = array<i32>} : memref<2048x128xf32, #tpu.memory_space<vmem>>, vector<2048x128xf32>,
    %get3A_31 = arith.constant 0 : index
    %get3A_32 = arith.constant 0 : index
    %get3A_33 = vector.load %arg6[%get3A_31, %get3A_32] : memref<2048x128xf32, #tpu.memory_space<vmem>>, vector<2048x128xf32>
    %get3A_34 = arith.constant 0 : index
    %get3A_35 = arith.constant 0 : index
    %get3A_36 = vector.load %arg7[%get3A_34, %get3A_35] : memref<2048x128xf32, #tpu.memory_space<vmem>>, vector<2048x128xf32>
    %add3A_37 = arith.addf %get3A_33, %get3A_36 : vector<2048x128xf32>
    %max3A_38 = arith.constant 0.000000e+00 : f32
    %max3A_39 = vector.broadcast %max3A_38 : f32 to vector<2048x128xf32>
    %max3A_40 = arith.maximumf %add3A_37, %max3A_39 : vector<2048x128xf32>
    %get3A_41 = arith.constant 0 : index
    %get3A_42 = arith.constant 0 : index
    %get3A_43 = vector.load %arg8[%get3A_41, %get3A_42] : memref<128x128xf32, #tpu.memory_space<vmem>>, vector<128x128xf32>
    %dot_general3A_44 = arith.constant dense<0.000000e+00> : vector<2048x128xf32>
    %dot_general3A_45 = tpu.matmul %max3A_40, %get3A_43, %dot_general3A_44 {dimension_numbers = #tpu.dot_dimension_numbers<[1], [0], [0], [1], [0, 0, 1, 1], [], []>, transpose_lhs_hint = false} : vector<2048x128xf32>, vector<128x128xf32>, vector<2048x128xf32> -> vector<2048x128xf32>
    %swap3A_46 = arith.constant 0 : index
    %swap3A_47 = arith.constant 0 : index
    %swap3A_48 = vector.load %arg11[%swap3A_46, %swap3A_47] : memref<2048x128xf32, #tpu.memory_space<vmem>>, vector<2048x128xf32>
    tpu.vector_store %arg11[%swap3A_46, %swap3A_47], %dot_general3A_45 {strides = array<i32>} : memref<2048x128xf32, #tpu.memory_space<vmem>>, vector<2048x128xf32>,
    return
  }
  func.func @transform_0(%arg0: i32) -> (i32, i32) {
    %c0_i32 = arith.constant 0 : i32
    %c0_i32_0 = arith.constant 0 : i32
    return %arg0, %c0_i32 : i32, i32
  }
  func.func @transform_1(%arg0: i32) -> (i32, i32) {
    %c0_i32 = arith.constant 0 : i32
    %c0_i32_0 = arith.constant 0 : i32
    return %arg0, %c0_i32 : i32, i32
  }
  func.func @transform_2(%arg0: i32) -> (i32, i32) {
    %c0_i32 = arith.constant 0 : i32
    %c0_i32_0 = arith.constant 0 : i32
    return %arg0, %c0_i32 : i32, i32
  }
  func.func @transform_3(%arg0: i32) -> (i32, i32) {
    %c0_i32 = arith.constant 0 : i32
    %c0_i32_0 = arith.constant 0 : i32
    return %arg0, %c0_i32 : i32, i32
  }
  func.func @transform_4(%arg0: i32) -> (i32, i32) {
    %c0_i32 = arith.constant 0 : i32
    %c0_i32_0 = arith.constant 0 : i32
    return %arg0, %c0_i32 : i32, i32
  }
  func.func @transform_5(%arg0: i32) -> (i32, i32) {
    %c0_i32 = arith.constant 0 : i32
    %c0_i32_0 = arith.constant 0 : i32
    return %arg0, %c0_i32 : i32, i32
  }
  func.func @transform_6(%arg0: i32) -> (i32, i32) {
    %c0_i32 = arith.constant 0 : i32
    %c0_i32_0 = arith.constant 0 : i32
    return %arg0, %c0_i32 : i32, i32
  }
  func.func @transform_7(%arg0: i32) -> (i32, i32) {
    %c0_i32 = arith.constant 0 : i32
    %c0_i32_0 = arith.constant 0 : i32
    %c0_i32_1 = arith.constant 0 : i32
    return %c0_i32, %c0_i32_0 : i32, i32
  }
  func.func @transform_8(%arg0: i32) -> (i32, i32) {
    %c0_i32 = arith.constant 0 : i32
    %c0_i32_0 = arith.constant 0 : i32
    return %arg0, %c0_i32 : i32, i32
  }
  func.func @transform_9(%arg0: i32) -> (i32, i32) {
    %c0_i32 = arith.constant 0 : i32
    %c0_i32_0 = arith.constant 0 : i32
    return %arg0, %c0_i32 : i32, i32
  }
  func.func @transform_10(%arg0: i32) -> (i32, i32) {
    %c0_i32 = arith.constant 0 : i32
    %c0_i32_0 = arith.constant 0 : i32
    return %arg0, %c0_i32 : i32, i32
  }
}

module attributes {stable_mosaic.version = 14 : i64} {
  func.func @_stage_c(%arg0: i32, %arg1: memref<2048x128xf32, #tpu.memory_space<vmem>>, %arg2: memref<2048x128xf32, #tpu.memory_space<vmem>>, %arg3: memref<2048x128xf32, #tpu.memory_space<vmem>>, %arg4: memref<2048x1xf32, #tpu.memory_space<vmem>>, %arg5: memref<2048x1xf32, #tpu.memory_space<vmem>>, %arg6: memref<2048x128xf32, #tpu.memory_space<vmem>>) attributes {dimension_semantics = [#tpu.dimension_semantics<arbitrary>], iteration_bounds = array<i64: 5>, scalar_prefetch = 0 : i64, scratch_operands = 0 : i64, tpu.core_type = #tpu.core_type<tc>, window_params = [{transform_indices = @transform_0, window_bounds = array<i64: 2048, 128>}, {transform_indices = @transform_1, window_bounds = array<i64: 2048, 128>}, {transform_indices = @transform_2, window_bounds = array<i64: 2048, 128>}, {transform_indices = @transform_3, window_bounds = array<i64: 2048, 1>}, {transform_indices = @transform_4, window_bounds = array<i64: 2048, 1>}, {transform_indices = @transform_5, window_bounds = array<i64: 2048, 128>}]} {
    %get3A = arith.constant 0 : index
    %get3A_0 = arith.constant 0 : index
    %get3A_1 = vector.load %arg4[%get3A, %get3A_0] : memref<2048x1xf32, #tpu.memory_space<vmem>>, vector<2048x1xf32>
    %get3A_2 = arith.constant 0 : index
    %get3A_3 = arith.constant 0 : index
    %get3A_4 = vector.load %arg5[%get3A_2, %get3A_3] : memref<2048x1xf32, #tpu.memory_space<vmem>>, vector<2048x1xf32>
    %add3A = arith.addf %get3A_1, %get3A_4 : vector<2048x1xf32>
    %add3A_5 = arith.constant 1.000000e+00 : f32
    %add3A_6 = vector.broadcast %add3A_5 : f32 to vector<2048x1xf32>
    %add3A_7 = arith.addf %add3A, %add3A_6 : vector<2048x1xf32>
    %get3A_8 = arith.constant 0 : index
    %get3A_9 = arith.constant 0 : index
    %get3A_10 = vector.load %arg1[%get3A_8, %get3A_9] : memref<2048x128xf32, #tpu.memory_space<vmem>>, vector<2048x128xf32>
    %get3A_11 = arith.constant 0 : index
    %get3A_12 = arith.constant 0 : index
    %get3A_13 = vector.load %arg2[%get3A_11, %get3A_12] : memref<2048x128xf32, #tpu.memory_space<vmem>>, vector<2048x128xf32>
    %add3A_14 = arith.addf %get3A_10, %get3A_13 : vector<2048x128xf32>
    %get3A_15 = arith.constant 0 : index
    %get3A_16 = arith.constant 0 : index
    %get3A_17 = vector.load %arg3[%get3A_15, %get3A_16] : memref<2048x128xf32, #tpu.memory_space<vmem>>, vector<2048x128xf32>
    %add3A_18 = arith.addf %add3A_14, %get3A_17 : vector<2048x128xf32>
    %div3A = vector.broadcast %add3A_7 : vector<2048x1xf32> to vector<2048x128xf32>
    %div3A_19 = arith.divf %add3A_18, %div3A : vector<2048x128xf32>
    %max3A = arith.constant 0.000000e+00 : f32
    %max3A_20 = vector.broadcast %max3A : f32 to vector<2048x128xf32>
    %max3A_21 = arith.maximumf %div3A_19, %max3A_20 : vector<2048x128xf32>
    %swap3A = arith.constant 0 : index
    %swap3A_22 = arith.constant 0 : index
    %swap3A_23 = vector.load %arg6[%swap3A, %swap3A_22] : memref<2048x128xf32, #tpu.memory_space<vmem>>, vector<2048x128xf32>
    tpu.vector_store %arg6[%swap3A, %swap3A_22], %max3A_21 {strides = array<i32>} : memref<2048x128xf32, #tpu.memory_space<vmem>>, vector<2048x128xf32>,
    return
  }
  func.func @transform_0(%arg0: i32) -> (i32, i32) {
    %c0_i32 = arith.constant 0 : i32
    %c0_i32_0 = arith.constant 0 : i32
    return %arg0, %c0_i32 : i32, i32
  }
  func.func @transform_1(%arg0: i32) -> (i32, i32) {
    %c0_i32 = arith.constant 0 : i32
    %c0_i32_0 = arith.constant 0 : i32
    return %arg0, %c0_i32 : i32, i32
  }
  func.func @transform_2(%arg0: i32) -> (i32, i32) {
    %c0_i32 = arith.constant 0 : i32
    %c0_i32_0 = arith.constant 0 : i32
    return %arg0, %c0_i32 : i32, i32
  }
  func.func @transform_3(%arg0: i32) -> (i32, i32) {
    %c0_i32 = arith.constant 0 : i32
    %c0_i32_0 = arith.constant 0 : i32
    return %arg0, %c0_i32 : i32, i32
  }
  func.func @transform_4(%arg0: i32) -> (i32, i32) {
    %c0_i32 = arith.constant 0 : i32
    %c0_i32_0 = arith.constant 0 : i32
    return %arg0, %c0_i32 : i32, i32
  }
  func.func @transform_5(%arg0: i32) -> (i32, i32) {
    %c0_i32 = arith.constant 0 : i32
    %c0_i32_0 = arith.constant 0 : i32
    return %arg0, %c0_i32 : i32, i32
  }
}

</mosaic_0001>

<sc_bundles>
// kernel: kernel.10.cloned.1.call-start
scs
__scs_entry_jumppad:
0x0: {  	(pc) =	sbr.rel $0x88, $3  }
0x1: {  	(tag) =	ssettag $0x0;
	lr =	simm.s32 $0x1  }
0x2: {  	[smem:$0x3F9C] =	sst lr;
	_ =	strace $0xD0000000  }
0x3: {  	_ = 	snop  }
0x4: {  	_ = 	snop  }
0x5: {  	_ = 	snop  }
0x6: {  	_ = 	snop  }
0x7: {  	_ = 	snop  }
__scs_overlays_trampoline_lowered:
0x8: {  	[smem:$0x3FAB] =	sst s0  }
0x9: {  	[smem:$0x3FAC] =	sst s1  }
0xa: {  	[smem:$0x3FAD] =	sst s2  }
0xb: {  	[smem:$0x3FAE] =	sst s3  }
0xc: {  	[smem:$0x3FAF] =	sst s4  }
0xd: {  	[smem:$0x3FB0] =	sst s5  }
0xe: {  	[smem:$0x3FB1] =	sst s6  }
0xf: {  	[smem:$0x3FB2] =	sst s7  }
0x10: {  	[smem:$0x3FB3] =	sst s8  }
0x11: {  	[smem:$0x3FB4] =	sst s9;
	s0 =	simm.s32 @!p0 $0x0  }
0x12: {  	s1 =	sld [smem:$0x3F9A];
	s0 =	simm.s32 @p0 $0x1  }
0x13: {  	[smem:$0x3FB5] =	sst s0;
	s0 =	simm.s32 @!p1 $0x0  }
0x14: {  	s2 =	sld [smem:$0x3F99];
	s0 =	simm.s32 @p1 $0x1  }
0x15: {  	[smem:$0x3FB6] =	sst s0;
	s0 =	simm.s32 @!p2 $0x0  }
0x16: {  	s3 =	sld [smem:$0x3FDB];
	s0 =	simm.s32 @p2 $0x1  }
0x17: {  	s4 =	simm.s32 $0x1BF5;
	[smem:$0x3FB8] =	sst s0  }
0x18: {  	s0 =	sld [smem:$0x3F9B];
	_ =	swait.ge [sflag:s4], $0x0  }
0x19: {  	s7 =	sld [smem:$0x3F9C]  }
0x1a: {  	s8 =	sadd.s32 $0xFFFFE003, lr  }
0x1b: {  	s9 =	sadd.s32 $0xFFFFFEF7, lr;
	s5 =	simm.s32 $0xFFFFFFFF;
	p2 =	slt.u32 s8, $0xFFFFF086  }
0x1c: {  	p1 =	slt.u32 s9, $0xF7A;
	s5 =	simm.s32 @!p2 $0x0  }
0x1d: {  	s5 =	simm.s32 @p1 $0x1;
	p0 =	seq.s32 s7, s2  }
0x1e: {  	s7 =	smul.u32 @!p0 $0xF7A, s2;
	p2 =	seq.s32 @!p0 s5, $0x0  }
0x1f: {  	s9 =	smul.u32 $0xF7A, s1;
	s8 =	simm.s32 @!p0 $0x1BF5;
	p2 =	por !p2, p0  }
0x20: {  	[sflag:s8] =	ssyncset.s32 @!p0 $0xFFFFF086;
	s6 =	sadd.s32 @!p0 s3, s7;
	s7 =	simm.s32 @!p0 $0x108  }
0x21: {  	s3 =	sadd.s32 s3, s9;
	s6 =	sadd.s32 @!p0 $0x88, s6;
	s7 =	simm.s32 @p2 $0x1082  }
0x22: {  	[simem:s7], [sflag:s8] =	dma.local @!p0 [hbm:s6], $0xF7A  }
0x23: {  	s9 =	sor.u32 $0xD0000000, s2;
	s6 =	simm.s32 $0x108;
	_ =	swait.ge @!p0 [sflag:s8], $0x0  }
0x24: {  	s3 =	sadd.s32 $0x88, s3;
	s6 =	simm.s32 @!p1 $0x1082;
	[sflag:s4] =	ssyncset.s32 $0xFFFFF086  }
0x25: {  	[simem:s6], [sflag:s4] =	dma.local [hbm:s3], $0xF7A  }
0x26: {  	[smem:$0x3F9C] =	sst s1;
	(tag) =	ssettag s2;
	_ =	strace s9  }
0x27: {  	s1 =	sld [smem:$0x3FAC]  }
0x28: {  	s2 =	sld [smem:$0x3FAD]  }
0x29: {  	s4 =	sld [smem:$0x3FAF]  }
0x2a: {  	p0 =	seq.s32 s5, $0x0;
	s5 =	sld [smem:$0x3FB0]  }
0x2b: {  	s6 =	sld [smem:$0x3FB1]  }
0x2c: {  	s7 =	sld [smem:$0x3FB2]  }
0x2d: {  	s3 =	simm.s32 $0x108;
	s8 =	sld [smem:$0x3FB3]  }
0x2e: {  	s3 =	simm.s32 @!p0 $0x1082;
	s9 =	sld [smem:$0x3FB4]  }
0x2f: {  	lr =	sadd.s32 s0, s3;
	s0 =	sld [smem:$0x3FAB]  }
0x30: {  	s3 =	sld [smem:$0x3FAE]  }
0x31: {  	[smem:$0x3FB7] =	sst s10  }
0x32: {  	s10 =	sld [smem:$0x3FB5];
	_ =	sdelay $0x3  }
0x33: {  	p0 =	seq.s32 s10, $0x1;
	s10 =	sld [smem:$0x3FB7];
	_ =	sdelay $0x3  }
0x34: {  	[smem:$0x3FB7] =	sst s10  }
0x35: {  	s10 =	sld [smem:$0x3FB6];
	_ =	sdelay $0x3  }
0x36: {  	p1 =	seq.s32 s10, $0x1;
	s10 =	sld [smem:$0x3FB7];
	_ =	sdelay $0x3  }
0x37: {  	[smem:$0x3FB7] =	sst s10  }
0x38: {  	s10 =	sld [smem:$0x3FB8]  }
0x39: {  	_ = 	snop;
	(pc) =	sbr.ind lr, $3  }
0x3a: {  	_ = 	snop  }
0x3b: {  	_ = 	snop  }
0x3c: {  	p2 =	seq.s32 s10, $0x1;
	s10 =	sld [smem:$0x3FB7]  }
0x3d: {  	_ =	shalt  }
0x3e: {  	_ =	shalt  }
0x3f: {  	_ =	shalt  }
0x40: {  	_ =	shalt  }
0x41: {  	_ =	shalt  }
0x42: {  	_ =	shalt  }
0x43: {  	_ =	shalt  }
0x44: {  	_ =	shalt  }
0x45: {  	_ =	shalt  }
0x46: {  	_ =	shalt  }
0x47: {  	_ =	shalt  }
0x48: {  	_ =	shalt  }
0x49: {  	_ =	shalt  }
0x4a: {  	_ =	shalt  }
0x4b: {  	_ =	shalt  }
0x4c: {  	_ =	shalt  }
0x4d: {  	_ =	shalt  }
0x4e: {  	_ =	shalt  }
0x4f: {  	_ =	shalt  }
0x50: {  	_ =	shalt  }
0x51: {  	_ =	shalt  }
0x52: {  	_ =	shalt  }
0x53: {  	_ =	shalt  }
0x54: {  	_ =	shalt  }
0x55: {  	_ =	shalt  }
0x56: {  	_ =	shalt  }
0x57: {  	_ =	shalt  }
0x58: {  	_ =	shalt  }
0x59: {  	_ =	shalt  }
0x5a: {  	_ =	shalt  }
0x5b: {  	_ =	shalt  }
0x5c: {  	_ =	shalt  }
0x5d: {  	_ =	shalt  }
0x5e: {  	_ =	shalt  }
0x5f: {  	_ =	shalt  }
0x60: {  	_ =	shalt  }
0x61: {  	_ =	shalt  }
0x62: {  	_ =	shalt  }
0x63: {  	_ =	shalt  }
0x64: {  	_ =	shalt  }
0x65: {  	_ =	shalt  }
0x66: {  	_ =	shalt  }
0x67: {  	_ =	shalt  }
0x68: {  	_ =	shalt  }
0x69: {  	_ =	shalt  }
0x6a: {  	_ =	shalt  }
0x6b: {  	_ =	shalt  }
0x6c: {  	_ =	shalt  }
0x6d: {  	_ =	shalt  }
0x6e: {  	_ =	shalt  }
0x6f: {  	_ =	shalt  }
0x70: {  	_ =	shalt  }
0x71: {  	_ =	shalt  }
0x72: {  	_ =	shalt  }
0x73: {  	_ =	shalt  }
0x74: {  	_ =	shalt  }
0x75: {  	_ =	shalt  }
0x76: {  	_ =	shalt  }
0x77: {  	_ =	shalt  }
0x78: {  	_ =	shalt  }
0x79: {  	_ =	shalt  }
0x7a: {  	_ =	shalt  }
0x7b: {  	_ =	shalt  }
0x7c: {  	_ =	shalt  }
0x7d: {  	_ =	shalt  }
0x7e: {  	_ =	shalt  }
0x7f: {  	_ =	shalt  }
0x80: {  	_ =	shalt  }
0x81: {  	_ =	shalt  }
0x82: {  	_ =	shalt  }
0x83: {  	_ =	shalt  }
0x84: {  	_ =	shalt  }
0x85: {  	_ =	shalt  }
0x86: {  	_ =	shalt  }
0x87: {  	_ =	shalt  }
.Lfunc_end0:
.L_simem_size_0:
called_computation.1_lowered:
.L_overlay_start_0:
0x88: {  	s2 =	sld [smem:$0x3FD9]  }
0x89: {  	s3 =	sld [smem:$0x3FFE];
	_ =	sdelay $0x1  }
0x8a: {  	s1 =	srdreg.scid  }
0x8b: {  	s0 =	sand.u32 $0x1, s1  }
0x8c: {  	s14 =	sshll.u32 s0, $0xA;
	s2 =	sadd.s32 s3, s2  }
0x8d: {  	s2 =	sadd.s32 s2, s14  }
0x8e: {  	[smem:$0x3FC3] =	sst s2  }
0x8f: {  	_ = 	snop  }
0x90: {  	s2 =	sld [smem:$0x3FD0];
	_ =	sdelay $0x2  }
0x91: {  	s15 =	simm.s32 $0xA;
	s4 =	simm.s32 $0x10  }
0x92: {  	[smem:s4], [sflag:s15] =	dma.local [hbm:s2], $0x1  }
0x93: {  	_ =	swait.eq [sflag:s15], $0x1  }
0x94: {  	[sflag:s15] =	ssyncset.done $0x0  }
0x95: {  	[sflag:s15] =	ssyncadd.s32 $0xFFFFFFFF  }
0x96: {  	s16 =	sld [smem:$0x10];
	(tm) =	ssettm $0x1  }
0x97: {  	s17 =	sld [smem:$0x3FFB];
	_ =	sdelay $0x3  }
0x98: {  	_ =	strace s17  }
0x99: {  	s3 =	sld [smem:$0x3FFC];
	_ =	sdelay $0x3  }
0x9a: {  	_ =	strace s3  }
0x9b: {  	s3 =	sld [smem:$0x3FFD];
	_ =	sdelay $0x3  }
0x9c: {  	_ =	strace s3  }
0x9d: {  	_ =	strace $0x8FFFFFFF  }
0x9e: {  	s18 =	sld [smem:$0x3FDB];
	_ =	sdelay $0x1  }
0x9f: {  	s19 =	simm.s32 $_scs_section_size  }
0xa0: {  	s5 =	simm.s32 $_size__tile_overlayer_lowered;
	s6 =	simm.s32 $_tile_overlayer_lowered  }
0xa1: {  	s22 =	simm.s32 $0x1BFF;
	s21 =	sshll.u32 s6, $0x1;
	s3 =	sadd.s32 s19, s18  }
0xa2: {  	s7 =	simm.s32 $0x0;
	s20 =	sshll.u32 s5, $0x1;
	s5 =	sadd.s32 s21, s3  }
0xa3: {  	[timem:s7], [sflag:s22] =	dma.local [hbm:s5], s20  }
0xa4: {  	_ =	swait.ge [sflag:s22], s20  }
0xa5: {  	s4 =	ssub.s32 $0x0, s20;
	[sflag:s22] =	ssyncset.done $0x0  }
0xa6: {  	[sflag:s22] =	ssyncadd.s32 s4;
	_ =	sdelay $0x1  }
0xa7: {  	s23 =	simm.s32 $0x1B8B  }
0xa8: {  	_ =	swait.ge [sflag:s23], $0x1  }
0xa9: {  	[sflag:s23] =	ssyncset.done $0x0  }
0xaa: {  	s25 =	simm.s32 $0x1B8E;
	s24 =	sld [smem:$0x3FFE];
	[sflag:s23] =	ssyncadd.s32 $0xFFFFFFFF  }
0xab: {  	s26 =	simm.s32 $execute0_lowered;
	[smem:$0x3FD2] =	sst s25  }
0xac: {  	s5 =	sshll.u32 s26, $0x1;
	_ =	strace $0x80000049;
	[dreg:$0x1] =	wrdreg $0xFFFFFFFF  }
0xad: {  	s28 =	simm.s32 $_size_execute0_lowered;
	s3 =	sadd.s32 s3, s5;
	[dreg:$0x0] =	wrdreg $0x0  }
0xae: {  	s5 =	sshll.u32 s28, $0x1;
	[dreg:$0x2] =	wrdreg s3  }
0xaf: {  	[dreg:$0x3] =	wrdreg s5  }
0xb0: {  	[dreg:$0x4] =	wrdreg $0xC0  }
0xb1: {  	_ =	task [dreg:s7], $0x5FFFF  }
0xb2: {  	[dreg:$0x1] =	wrdreg $0xFFFFFFFF  }
0xb3: {  	[dreg:$0x0] =	wrdreg $0x60  }
0xb4: {  	[dreg:$0x2] =	wrdreg s24  }
0xb5: {  	[dreg:$0x3] =	wrdreg s16  }
0xb6: {  	[dreg:$0x4] =	wrdreg $0x8F000  }
0xb7: {  	[dreg:$0x5] =	wrdreg $0x9  }
0xb8: {  	_ =	task.clear_ibuf [dreg:s7], $0x6FFFF;
	_ =	strace $0x90000049  }
0xb9: {  	s29 =	simm.s32 $0x9;
	_ =	strace $0x8000004B  }
0xba: {  	_ =	swait.ge [sflag:s29], $0x1  }
0xbb: {  	[sflag:s29] =	ssyncadd.s32 $0xFFFFFFFF  }
0xbc: {  	_ =	strace $0x9000004B  }
0xbd: {  	_ =	sfence  }
0xbe: {  	s30 =	sld [smem:$0x0];
	_ =	sdelay $0x2  }
0xbf: {  	s31 =	sshll.u32 s1, $0xD;
	s1 =	sshrl.u32 s1, $0x2  }
0xc0: {  	s3 =	sand.u32 $0x4000, s31;
	s1 =	sadd.s32 s1, s30  }
0xc1: {  	s0 =	sor.u32 s3, s0;
	s1 =	sshll.u32 s1, $0x11  }
0xc2: {  	s0 =	sor.u32 s1, s0  }
0xc3: {  	s0 =	sadd.s32 $0x8F2B, s0  }
0xc4: {  	[sflag:s0] =	ssyncadd.remote.s32 $0x1  }
0xc5: {  	_ =	sfence.sel $0xFFFF  }
0xc6: {  	[dreg:$0x0] =	wrdreg $0xFFFFFFFF;
	(pc) =	sbr.abs _section_cstart, $3  }
0xc7: {  	[dreg:$0x1] =	wrdreg $0xFFFFFFFF  }
0xc8: {  	_ =	task.clear_ibuf [dreg:s7], $0x2FFFF;
	_ =	strace $0x9FFFFFFF  }
0xc9: {  	(tm) =	ssettm $0x7FFFFFFF  }
tec
execute0_lowered:
.L_overlay_start_1:
0x0: {  	(tag) =	ssettag $0x1  }
0x1: {  	s1 =	srdreg.scid;
	s5 =	rddreg [dreg:$0x0]  }
0x2: {  	s0 =	stileid.u32;
	s7 =	rddreg [dreg:$0x1]  }
0x3: {  	s2 =	rddreg [dreg:$0x2];
	s3 =	simm.s32 $0x0;
	s15 =	simm.s32 $0x4F00  }
0x4: {  	s16 =	simm.s32 $0x1;
	s17 =	simm.s32 $0x0;
	s6 =	sand.u32 $0x1, s1  }
0x5: {  	s30 =	sshll.u32 s0, $0x1;
	s9 =	smul.u32 $0x14000, s0;
	[smem:$0x7FF] =	sst s3  }
0x6: {  	s4 =	sadd.s32 $0xC400, s5;
	s1 =	sor.u32 s6, s30;
	s10 =	smul.u32 $0x140000, s6  }
0x7: {  	s31 =	sshll.u32 s0, $0x6;
	s6 =	ssub.s32 $0x2, s6;
	s8 =	smul.u32 $0x4F0, s1  }
0x8: {  	s1 =	rddreg [dreg:$0x3];
	_ =	strace $0x8000004A;
	s12 =	sshrl.u32 s9, $0x3  }
0x9: {  	s13 =	sshrl.u32 s6, $0x1;
	s14 =	sadd.s32 s9, s2;
	s10 =	sadd.s32 s9, s10  }
0xa: {  	s12 =	sadd.s32 s12, s5;
	s13 =	ssub.s32 s6, s13;
	s6 =	sor.u32 $0x1C02, s31  }
0xb: {  	s11 =	sadd.s32 s8, s5;
	s10 =	sshrl.u32 s10, $0x3;
	s7 =	sadd.s32 s7, s8  }
0xc: {  	s10 =	sadd.s32 s10, s5;
	s5 =	sadd.s32 $0x5C400, s12;
	s8 =	sadd.s32 $0x2600, s11  }
0xd: {  	s11 =	sshrl.u32 s14, $0x3;
	s12 =	simm.s32 $0x2;
	s14 =	simm.s32 $0x80  }
0xe: {  	s9 =	sadd.s32 $0x84400, s10;
	s10 =	smax.u32 s13, $0x1;
	s13 =	simm.s32 $0x2780  }
.LBB2_1:
0xf: {  	[spmem:s11], [sflag:s6] =	dma.local [hbm:s5], $0x2800  }
0x10: {  	_ =	swait.ge [sflag:s12], $0x2800  }
0x11: {  	[sflag:s12] =	ssyncset.done $0x0  }
0x12: {  	[sflag:s12] =	ssyncadd.s32 $0xFFFFD800  }
0x13: {  	[bflag:$0x0] =	sbarrier.arrive $0xFFFF  }
0x14: {  	[tilespmem:s3], [sflag:$0x2] =	stream.linear.gather [hbm4b:s7+s3], $0x2780, $0x38;
	[tilespmem:$0x1CF00] =	vst v63  }
0x15: {  	_ =	swait.ge [sflag:s12], $0x2780  }
0x16: {  	[sflag:s12] =	ssyncset.done $0x0  }
0x17: {  	[sflag:s12] =	ssyncadd.s32 $0xFFFFD880  }
0x18: {  	[tilespmem:s13], [sflag:$0x2] =	stream.linear.gather [hbm4b:s8+s3], $0x2780, $0x38;
	[tilespmem:$0x1CF00] =	vst v63  }
0x19: {  	_ =	swait.ge [sflag:s12], $0x2780  }
0x1a: {  	[sflag:s12] =	ssyncset.done $0x0  }
0x1b: {  	s18 =	simm.s32 $0x2780;
	[sflag:s12] =	ssyncadd.s32 $0xFFFFD880  }
0x1c: {  	[tilespmem:s15], [sflag:$0x1] =	stream.indirect.gather [hbm4b:s4+s14], $0x80, s18, s14, $0xb8;
	[tilespmem:$0x1CF00] =	vst v63  }
0x1d: {  	_ =	swait.ge [sflag:s16], $0x4000  }
0x1e: {  	[sflag:s16] =	ssyncset.done $0x0  }
0x1f: {  	s31 =	simm.s32 $0x0;
	[sflag:s16] =	ssyncadd.s32 $0xFFFFC000  }
0x20: {  	[spmem:s2] =	stream.indirect.scatter.add.f32 [tilespmem:s15], [sflag:$0x2], $0x80, s31, s14, $0xb8;
	[tilespmem:$0x1CF00] =	vst v63  }
0x21: {  	_ =	swait.ge [sflag:s12], $0x4000  }
0x22: {  	s19 =	simm.s32 $0x400;
	s18 =	simm.s32 $0x80;
	[sflag:s12] =	ssyncset.done $0x0  }
.LBB2_2:
0x23: {  	s20 =	sadd.s32 $0x2780, s18  }
0x24: {  	[sflag:s12] =	ssyncadd.s32 $0xFFFFC000;
	s21 =	smov.u32 s19;
	s22 =	sadd.s32 $0x200, s19  }
0x25: {  	[tilespmem:s15], [sflag:$0x1] =	stream.indirect.gather [hbm4b:s4+s14], $0x80, s20, s14, $0xb8;
	[tilespmem:$0x1CF00] =	vst v63  }
0x26: {  	p0 =	sne.s32 s19, $0x9C00;
	_ =	swait.ge [sflag:s16], $0x4000  }
.Ltmp0:
0x27: {  	[sflag:s16] =	ssyncset.done $0x0;
	(pc) =	sbr.rel @p0 .LBB2_2-.Ltmp0, $4  }
0x28: {  	[sflag:s16] =	ssyncadd.s32 $0xFFFFC000  }
0x29: {  	[spmem:s2] =	stream.indirect.scatter.add.f32 [tilespmem:s15], [sflag:$0x2], $0x80, s18, s14, $0xb8;
	[tilespmem:$0x1CF00] =	vst v63  }
0x2a: {  	_ =	swait.ge [sflag:s12], $0x4000  }
0x2b: {  	s19 =	smov.u32 s22;
	s18 =	sshra.s32 s21, $0x2;
	[sflag:s12] =	ssyncset.done $0x0  }
0x2c: {  	s19 =	sadd.s32 $0x2780, s18;
	[sflag:s12] =	ssyncadd.s32 $0xFFFFC000  }
0x2d: {  	[tilespmem:s15], [sflag:$0x1] =	stream.indirect.gather [hbm4b:s4+s14], $0x80, s19, s14, $0xb8;
	[tilespmem:$0x1CF00] =	vst v63  }
0x2e: {  	_ =	swait.ge [sflag:s16], $0x4000  }
0x2f: {  	[sflag:s16] =	ssyncset.done $0x0  }
0x30: {  	[sflag:s16] =	ssyncadd.s32 $0xFFFFC000  }
0x31: {  	[spmem:s2] =	stream.indirect.scatter.add.f32 [tilespmem:s15], [sflag:$0x2], $0x80, s18, s14, $0xb8;
	[tilespmem:$0x1CF00] =	vst v63  }
0x32: {  	_ =	swait.ge [sflag:s12], $0x4000  }
0x33: {  	s17 =	sadd.s32 $0x1, s17;
	[sflag:s12] =	ssyncset.done $0x0  }
0x34: {  	p0 =	sne.s32 s17, s10;
	[sflag:s12] =	ssyncadd.s32 $0xFFFFC000  }
.Ltmp1:
0x35: {  	[bflag:$0x0] =	sbarrier.arrive $0xFFFF;
	(pc) =	sbr.rel @p0 .LBB2_1-.Ltmp1, $4  }
0x36: {  	[hbm:s9], [sflag:s6] =	dma.local [spmem:s11], $0x2800  }
0x37: {  	_ =	swait.ge [sflag:s12], $0x2800  }
0x38: {  	[sflag:s12] =	ssyncset.done $0x0  }
0x39: {  	[sflag:s12] =	ssyncadd.s32 $0xFFFFD800  }
0x3a: {  	_ =	sfence.sel $0x180000  }
0x3b: {  	[bflag:$0x0] =	sbarrier.arrive $0xFFFF  }
0x3c: {  	p0 =	sne.s32 s0, $0x0;
	_ =	strace $0x9000004A  }
0x3d: {  	s0 =	sadd.s32 @!p0 $0x100000, s1;
	[bflag:$0x2] =	sbarrier.arrive $0xFFFF  }
0x3e: {  	[sflag:s0] =	ssyncadd.tile.s32 @!p0 $0x1;
	_ =	shalt  }
.Lfunc_end2:
_tile_overlayer_lowered:
.L_overlay_start_2:
0x3f: {  	(tag) =	ssettag $0x2  }
0x40: {  	s0 =	rddreg [dreg:$0x0];
	s2 =	stileid.u32  }
0x41: {  	s1 =	rddreg [dreg:$0x1];
	p0 =	sne.s32 s2, $0x0  }
0x42: {  	s3 =	rddreg [dreg:$0x2];
	[bflag:$0x3] =	sbarrier.arrive $0xFFFF;
	s2 =	simm.s32 @!p0 $0x1C02  }
0x43: {  	[timem:s3], [sflag:s2] =	dma.local @!p0 [hbm:s0], s1  }
0x44: {  	s0 =	simm.s32 @!p0 $0x2  }
0x45: {  	_ =	swait.ge @!p0 [sflag:s0], s1  }
0x46: {  	s1 =	ssub.s32 @!p0 $0x0, s1;
	[sflag:s0] =	ssyncset.done @!p0 $0x0  }
0x47: {  	[sflag:s0] =	ssyncadd.s32 @!p0 s1  }
0x48: {  	[bflag:$0x3] =	sbarrier.arrive $0xFFFF  }
0x49: {  	_ =	shalt  }

// kernel: kernel.7.cloned.1.call-start
scs
__scs_entry_jumppad:
0x0: {  	(pc) =	sbr.rel $0x88, $3  }
0x1: {  	(tag) =	ssettag $0x0;
	lr =	simm.s32 $0x1  }
0x2: {  	[smem:$0x3F9C] =	sst lr;
	_ =	strace $0xD0000000  }
0x3: {  	_ = 	snop  }
0x4: {  	_ = 	snop  }
0x5: {  	_ = 	snop  }
0x6: {  	_ = 	snop  }
0x7: {  	_ = 	snop  }
__scs_overlays_trampoline_lowered:
0x8: {  	[smem:$0x3FAB] =	sst s0  }
0x9: {  	[smem:$0x3FAC] =	sst s1  }
0xa: {  	[smem:$0x3FAD] =	sst s2  }
0xb: {  	[smem:$0x3FAE] =	sst s3  }
0xc: {  	[smem:$0x3FAF] =	sst s4  }
0xd: {  	[smem:$0x3FB0] =	sst s5  }
0xe: {  	[smem:$0x3FB1] =	sst s6  }
0xf: {  	[smem:$0x3FB2] =	sst s7  }
0x10: {  	[smem:$0x3FB3] =	sst s8  }
0x11: {  	[smem:$0x3FB4] =	sst s9;
	s0 =	simm.s32 @!p0 $0x0  }
0x12: {  	s1 =	sld [smem:$0x3F9A];
	s0 =	simm.s32 @p0 $0x1  }
0x13: {  	[smem:$0x3FB5] =	sst s0;
	s0 =	simm.s32 @!p1 $0x0  }
0x14: {  	s2 =	sld [smem:$0x3F99];
	s0 =	simm.s32 @p1 $0x1  }
0x15: {  	[smem:$0x3FB6] =	sst s0;
	s0 =	simm.s32 @!p2 $0x0  }
0x16: {  	s3 =	sld [smem:$0x3FDB];
	s0 =	simm.s32 @p2 $0x1  }
0x17: {  	s4 =	simm.s32 $0x1BF5;
	[smem:$0x3FB8] =	sst s0  }
0x18: {  	s0 =	sld [smem:$0x3F9B];
	_ =	swait.ge [sflag:s4], $0x0  }
0x19: {  	s7 =	sld [smem:$0x3F9C]  }
0x1a: {  	s8 =	sadd.s32 $0xFFFFE003, lr  }
0x1b: {  	s9 =	sadd.s32 $0xFFFFFEF7, lr;
	s5 =	simm.s32 $0xFFFFFFFF;
	p2 =	slt.u32 s8, $0xFFFFF086  }
0x1c: {  	p1 =	slt.u32 s9, $0xF7A;
	s5 =	simm.s32 @!p2 $0x0  }
0x1d: {  	s5 =	simm.s32 @p1 $0x1;
	p0 =	seq.s32 s7, s2  }
0x1e: {  	s7 =	smul.u32 @!p0 $0xF7A, s2;
	p2 =	seq.s32 @!p0 s5, $0x0  }
0x1f: {  	s9 =	smul.u32 $0xF7A, s1;
	s8 =	simm.s32 @!p0 $0x1BF5;
	p2 =	por !p2, p0  }
0x20: {  	[sflag:s8] =	ssyncset.s32 @!p0 $0xFFFFF086;
	s6 =	sadd.s32 @!p0 s3, s7;
	s7 =	simm.s32 @!p0 $0x108  }
0x21: {  	s3 =	sadd.s32 s3, s9;
	s6 =	sadd.s32 @!p0 $0x88, s6;
	s7 =	simm.s32 @p2 $0x1082  }
0x22: {  	[simem:s7], [sflag:s8] =	dma.local @!p0 [hbm:s6], $0xF7A  }
0x23: {  	s9 =	sor.u32 $0xD0000000, s2;
	s6 =	simm.s32 $0x108;
	_ =	swait.ge @!p0 [sflag:s8], $0x0  }
0x24: {  	s3 =	sadd.s32 $0x88, s3;
	s6 =	simm.s32 @!p1 $0x1082;
	[sflag:s4] =	ssyncset.s32 $0xFFFFF086  }
0x25: {  	[simem:s6], [sflag:s4] =	dma.local [hbm:s3], $0xF7A  }
0x26: {  	[smem:$0x3F9C] =	sst s1;
	(tag) =	ssettag s2;
	_ =	strace s9  }
0x27: {  	s1 =	sld [smem:$0x3FAC]  }
0x28: {  	s2 =	sld [smem:$0x3FAD]  }
0x29: {  	s4 =	sld [smem:$0x3FAF]  }
0x2a: {  	p0 =	seq.s32 s5, $0x0;
	s5 =	sld [smem:$0x3FB0]  }
0x2b: {  	s6 =	sld [smem:$0x3FB1]  }
0x2c: {  	s7 =	sld [smem:$0x3FB2]  }
0x2d: {  	s3 =	simm.s32 $0x108;
	s8 =	sld [smem:$0x3FB3]  }
0x2e: {  	s3 =	simm.s32 @!p0 $0x1082;
	s9 =	sld [smem:$0x3FB4]  }
0x2f: {  	lr =	sadd.s32 s0, s3;
	s0 =	sld [smem:$0x3FAB]  }
0x30: {  	s3 =	sld [smem:$0x3FAE]  }
0x31: {  	[smem:$0x3FB7] =	sst s10  }
0x32: {  	s10 =	sld [smem:$0x3FB5];
	_ =	sdelay $0x3  }
0x33: {  	p0 =	seq.s32 s10, $0x1;
	s10 =	sld [smem:$0x3FB7];
	_ =	sdelay $0x3  }
0x34: {  	[smem:$0x3FB7] =	sst s10  }
0x35: {  	s10 =	sld [smem:$0x3FB6];
	_ =	sdelay $0x3  }
0x36: {  	p1 =	seq.s32 s10, $0x1;
	s10 =	sld [smem:$0x3FB7];
	_ =	sdelay $0x3  }
0x37: {  	[smem:$0x3FB7] =	sst s10  }
0x38: {  	s10 =	sld [smem:$0x3FB8]  }
0x39: {  	_ = 	snop;
	(pc) =	sbr.ind lr, $3  }
0x3a: {  	_ = 	snop  }
0x3b: {  	_ = 	snop  }
0x3c: {  	p2 =	seq.s32 s10, $0x1;
	s10 =	sld [smem:$0x3FB7]  }
0x3d: {  	_ =	shalt  }
0x3e: {  	_ =	shalt  }
0x3f: {  	_ =	shalt  }
0x40: {  	_ =	shalt  }
0x41: {  	_ =	shalt  }
0x42: {  	_ =	shalt  }
0x43: {  	_ =	shalt  }
0x44: {  	_ =	shalt  }
0x45: {  	_ =	shalt  }
0x46: {  	_ =	shalt  }
0x47: {  	_ =	shalt  }
0x48: {  	_ =	shalt  }
0x49: {  	_ =	shalt  }
0x4a: {  	_ =	shalt  }
0x4b: {  	_ =	shalt  }
0x4c: {  	_ =	shalt  }
0x4d: {  	_ =	shalt  }
0x4e: {  	_ =	shalt  }
0x4f: {  	_ =	shalt  }
0x50: {  	_ =	shalt  }
0x51: {  	_ =	shalt  }
0x52: {  	_ =	shalt  }
0x53: {  	_ =	shalt  }
0x54: {  	_ =	shalt  }
0x55: {  	_ =	shalt  }
0x56: {  	_ =	shalt  }
0x57: {  	_ =	shalt  }
0x58: {  	_ =	shalt  }
0x59: {  	_ =	shalt  }
0x5a: {  	_ =	shalt  }
0x5b: {  	_ =	shalt  }
0x5c: {  	_ =	shalt  }
0x5d: {  	_ =	shalt  }
0x5e: {  	_ =	shalt  }
0x5f: {  	_ =	shalt  }
0x60: {  	_ =	shalt  }
0x61: {  	_ =	shalt  }
0x62: {  	_ =	shalt  }
0x63: {  	_ =	shalt  }
0x64: {  	_ =	shalt  }
0x65: {  	_ =	shalt  }
0x66: {  	_ =	shalt  }
0x67: {  	_ =	shalt  }
0x68: {  	_ =	shalt  }
0x69: {  	_ =	shalt  }
0x6a: {  	_ =	shalt  }
0x6b: {  	_ =	shalt  }
0x6c: {  	_ =	shalt  }
0x6d: {  	_ =	shalt  }
0x6e: {  	_ =	shalt  }
0x6f: {  	_ =	shalt  }
0x70: {  	_ =	shalt  }
0x71: {  	_ =	shalt  }
0x72: {  	_ =	shalt  }
0x73: {  	_ =	shalt  }
0x74: {  	_ =	shalt  }
0x75: {  	_ =	shalt  }
0x76: {  	_ =	shalt  }
0x77: {  	_ =	shalt  }
0x78: {  	_ =	shalt  }
0x79: {  	_ =	shalt  }
0x7a: {  	_ =	shalt  }
0x7b: {  	_ =	shalt  }
0x7c: {  	_ =	shalt  }
0x7d: {  	_ =	shalt  }
0x7e: {  	_ =	shalt  }
0x7f: {  	_ =	shalt  }
0x80: {  	_ =	shalt  }
0x81: {  	_ =	shalt  }
0x82: {  	_ =	shalt  }
0x83: {  	_ =	shalt  }
0x84: {  	_ =	shalt  }
0x85: {  	_ =	shalt  }
0x86: {  	_ =	shalt  }
0x87: {  	_ =	shalt  }
.Lfunc_end0:
.L_simem_size_0:
called_computation_lowered:
.L_overlay_start_0:
0x88: {  	s2 =	sld [smem:$0x3FD9]  }
0x89: {  	s3 =	sld [smem:$0x3FFE];
	_ =	sdelay $0x1  }
0x8a: {  	s1 =	srdreg.scid  }
0x8b: {  	s0 =	sand.u32 $0x1, s1  }
0x8c: {  	s14 =	sshll.u32 s0, $0xA;
	s2 =	sadd.s32 s3, s2  }
0x8d: {  	s2 =	sadd.s32 s2, s14  }
0x8e: {  	[smem:$0x3FC3] =	sst s2  }
0x8f: {  	_ = 	snop  }
0x90: {  	s2 =	sld [smem:$0x3FD0];
	_ =	sdelay $0x2  }
0x91: {  	s15 =	simm.s32 $0xA;
	s4 =	simm.s32 $0x10  }
0x92: {  	[smem:s4], [sflag:s15] =	dma.local [hbm:s2], $0x1  }
0x93: {  	_ =	swait.eq [sflag:s15], $0x1  }
0x94: {  	[sflag:s15] =	ssyncset.done $0x0  }
0x95: {  	s16 =	sld [smem:$0x10];
	[sflag:s15] =	ssyncadd.s32 $0xFFFFFFFF  }
0x96: {  	s17 =	sld [smem:$0x11];
	(tm) =	ssettm $0x1  }
0x97: {  	s18 =	sld [smem:$0x3FFB];
	_ =	sdelay $0x3  }
0x98: {  	_ =	strace s18  }
0x99: {  	s4 =	sld [smem:$0x3FFC];
	_ =	sdelay $0x3  }
0x9a: {  	_ =	strace s4  }
0x9b: {  	s4 =	sld [smem:$0x3FFD];
	_ =	sdelay $0x3  }
0x9c: {  	_ =	strace s4  }
0x9d: {  	_ =	strace $0x8FFFFFFF  }
0x9e: {  	s19 =	sld [smem:$0x3FDB];
	_ =	sdelay $0x1  }
0x9f: {  	s5 =	simm.s32 $_scs_section_size  }
0xa0: {  	s6 =	simm.s32 $_size__tile_overlayer_lowered;
	s7 =	simm.s32 $_tile_overlayer_lowered  }
0xa1: {  	s22 =	simm.s32 $0x1BFF;
	s21 =	sshll.u32 s7, $0x1;
	s4 =	sadd.s32 s5, s19  }
0xa2: {  	s8 =	simm.s32 $0x0;
	s20 =	sshll.u32 s6, $0x1;
	s6 =	sadd.s32 s21, s4  }
0xa3: {  	[timem:s8], [sflag:s22] =	dma.local [hbm:s6], s20  }
0xa4: {  	_ =	swait.ge [sflag:s22], s20  }
0xa5: {  	s5 =	ssub.s32 $0x0, s20;
	[sflag:s22] =	ssyncset.done $0x0  }
0xa6: {  	[sflag:s22] =	ssyncadd.s32 s5;
	_ =	sdelay $0x1  }
0xa7: {  	s23 =	simm.s32 $0x1B8B  }
0xa8: {  	_ =	swait.ge [sflag:s23], $0x1  }
0xa9: {  	[sflag:s23] =	ssyncset.done $0x0  }
0xaa: {  	s25 =	simm.s32 $0x1B8E;
	s24 =	sld [smem:$0x3FFE];
	[sflag:s23] =	ssyncadd.s32 $0xFFFFFFFF  }
0xab: {  	s26 =	simm.s32 $execute0_lowered;
	[smem:$0x3FD2] =	sst s25  }
0xac: {  	s6 =	sshll.u32 s26, $0x1;
	_ =	strace $0x80000046;
	[dreg:$0x1] =	wrdreg $0xFFFFFFFF  }
0xad: {  	s28 =	simm.s32 $_size_execute0_lowered;
	s4 =	sadd.s32 s4, s6;
	[dreg:$0x0] =	wrdreg $0x0  }
0xae: {  	s6 =	sshll.u32 s28, $0x1;
	[dreg:$0x2] =	wrdreg s4  }
0xaf: {  	[dreg:$0x3] =	wrdreg s6  }
0xb0: {  	[dreg:$0x4] =	wrdreg $0xC0  }
0xb1: {  	_ =	task [dreg:s8], $0x5FFFF  }
0xb2: {  	[dreg:$0x1] =	wrdreg $0xFFFFFFFF  }
0xb3: {  	[dreg:$0x0] =	wrdreg $0x60  }
0xb4: {  	[dreg:$0x2] =	wrdreg s24  }
0xb5: {  	[dreg:$0x3] =	wrdreg s16  }
0xb6: {  	[dreg:$0x4] =	wrdreg s17  }
0xb7: {  	[dreg:$0x5] =	wrdreg $0x8F800  }
0xb8: {  	[dreg:$0x6] =	wrdreg $0x1CF800  }
0xb9: {  	[dreg:$0x7] =	wrdreg $0x1D2000  }
0xba: {  	[dreg:$0x8] =	wrdreg $0x9  }
0xbb: {  	_ =	task.clear_ibuf [dreg:s8], $0x9FFFF;
	_ =	strace $0x90000046  }
0xbc: {  	s29 =	simm.s32 $0x9;
	_ =	strace $0x80000048  }
0xbd: {  	_ =	swait.ge [sflag:s29], $0x1  }
0xbe: {  	[sflag:s29] =	ssyncadd.s32 $0xFFFFFFFF  }
0xbf: {  	_ =	strace $0x90000048  }
0xc0: {  	_ =	sfence  }
0xc1: {  	s30 =	sld [smem:$0x0];
	_ =	sdelay $0x2  }
0xc2: {  	s31 =	sshll.u32 s1, $0xD;
	s1 =	sshrl.u32 s1, $0x2  }
0xc3: {  	s3 =	sand.u32 $0x4000, s31;
	s1 =	sadd.s32 s1, s30  }
0xc4: {  	s0 =	sor.u32 s3, s0;
	s1 =	sshll.u32 s1, $0x11  }
0xc5: {  	s0 =	sor.u32 s1, s0  }
0xc6: {  	s0 =	sadd.s32 $0x8F2B, s0  }
0xc7: {  	[sflag:s0] =	ssyncadd.remote.s32 $0x1  }
0xc8: {  	_ =	sfence.sel $0xFFFF  }
0xc9: {  	[dreg:$0x0] =	wrdreg $0xFFFFFFFF;
	(pc) =	sbr.abs _section_cstart, $3  }
0xca: {  	[dreg:$0x1] =	wrdreg $0xFFFFFFFF  }
0xcb: {  	_ =	task.clear_ibuf [dreg:s8], $0x2FFFF;
	_ =	strace $0x9FFFFFFF  }
0xcc: {  	(tm) =	ssettm $0x7FFFFFFF  }
0xcd: {  	_ =	shalt  }
tec
execute0_lowered:
.L_overlay_start_1:
0x0: {  	(tag) =	ssettag $0x1  }
0x1: {  	s7 =	rddreg [dreg:$0x0]  }
0x2: {  	s10 =	rddreg [dreg:$0x1]  }
0x3: {  	s13 =	rddreg [dreg:$0x2]  }
0x4: {  	s1 =	rddreg [dreg:$0x3]  }
0x5: {  	s2 =	srdreg.scid;
	s3 =	rddreg [dreg:$0x4]  }
0x6: {  	s0 =	stileid.u32;
	s4 =	rddreg [dreg:$0x5]  }
0x7: {  	s5 =	simm.s32 $0x0;
	s24 =	simm.s32 $0x8F00;
	s25 =	simm.s32 $0x2  }
0x8: {  	s26 =	simm.s32 $0x0;
	s8 =	sand.u32 $0x1, s2;
	s9 =	smul.u32 $0x14000, s0  }
0x9: {  	s30 =	sshll.u32 s0, $0x1;
	[smem:$0x7FF] =	sst s5;
	s12 =	smul.u32 $0x280, s0  }
0xa: {  	s6 =	sadd.s32 $0x34400, s7;
	s31 =	sshll.u32 s0, $0x6;
	s14 =	smul.u32 $0x140000, s8  }
0xb: {  	s2 =	sor.u32 s8, s30;
	s17 =	smul.u32 $0x2800, s8;
	s8 =	ssub.s32 $0x2, s8  }
0xc: {  	s11 =	smul.u32 $0x4F0, s2;
	s2 =	rddreg [dreg:$0x6];
	_ =	strace $0x80000047  }
0xd: {  	s15 =	sshrl.u32 s9, $0x3;
	s16 =	sshrl.u32 s12, $0x3;
	s19 =	sshrl.u32 s8, $0x1  }
0xe: {  	s21 =	sadd.s32 s9, s1;
	s22 =	sadd.s32 s12, s3;
	s23 =	sadd.s32 s12, s4  }
0xf: {  	s15 =	sadd.s32 s15, s7;
	s16 =	sadd.s32 s16, s7;
	s14 =	sadd.s32 s9, s14  }
0x10: {  	s17 =	sadd.s32 s12, s17;
	s19 =	ssub.s32 s8, s19;
	s8 =	sor.u32 $0x1C03, s31  }
0x11: {  	s18 =	sadd.s32 s11, s7;
	s14 =	sshrl.u32 s14, $0x3;
	s17 =	sshrl.u32 s17, $0x3  }
0x12: {  	s9 =	sadd.s32 $0x84400, s16;
	s10 =	sadd.s32 s10, s11;
	s16 =	sshrl.u32 s21, $0x3  }
0x13: {  	s21 =	simm.s32 $0x80;
	s14 =	sadd.s32 s14, s7;
	s20 =	sadd.s32 s17, s7  }
0x14: {  	s7 =	sadd.s32 $0x5C400, s15;
	s11 =	sadd.s32 $0x2600, s18;
	s13 =	sadd.s32 s13, s17  }
0x15: {  	s15 =	smax.u32 s19, $0x1;
	s17 =	simm.s32 $0x3;
	s18 =	sshrl.u32 s22, $0x3  }
0x16: {  	s19 =	sshrl.u32 s23, $0x3;
	s22 =	simm.s32 $0x4F00;
	s23 =	simm.s32 $0x1  }
0x17: {  	v0 =	vimm.f32 $1.000000000e+00;
	s12 =	sadd.s32 $0x84A00, s14;
	s14 =	sadd.s32 $0xD4A00, s20;
	s20 =	simm.s32 $0x2780  }
.LBB2_1:
0x18: {  	[spmem:s16], [sflag:s8] =	dma.local [hbm:s7], $0x2800  }
0x19: {  	_ =	swait.ge [sflag:s17], $0x2800  }
0x1a: {  	[sflag:s17] =	ssyncset.done $0x0  }
0x1b: {  	[sflag:s17] =	ssyncadd.s32 $0xFFFFD800  }
0x1c: {  	[spmem:s18], [sflag:s8] =	dma.local [hbm:s9], $0x50  }
0x1d: {  	_ =	swait.ge [sflag:s17], $0x50  }
0x1e: {  	[sflag:s17] =	ssyncset.done $0x0  }
0x1f: {  	[sflag:s17] =	ssyncadd.s32 $0xFFFFFFB0  }
0x20: {  	[spmem:s19], [sflag:s8] =	dma.local [hbm:s9], $0x50  }
0x21: {  	_ =	swait.ge [sflag:s17], $0x50  }
0x22: {  	[sflag:s17] =	ssyncset.done $0x0  }
0x23: {  	[sflag:s17] =	ssyncadd.s32 $0xFFFFFFB0  }
0x24: {  	[tilespmem:$0x8F00] =	vst v0  }
0x25: {  	[tilespmem:$0x8F10] =	vst v0  }
0x26: {  	[tilespmem:$0x8F20] =	vst v0  }
0x27: {  	[tilespmem:$0x8F30] =	vst v0  }
0x28: {  	[tilespmem:$0x8F40] =	vst v0  }
0x29: {  	[tilespmem:$0x8F50] =	vst v0  }
0x2a: {  	[tilespmem:$0x8F60] =	vst v0  }
0x2b: {  	[tilespmem:$0x8F70] =	vst v0  }
0x2c: {  	[bflag:$0x0] =	sbarrier.arrive $0xFFFF  }
0x2d: {  	[tilespmem:s5], [sflag:$0x3] =	stream.linear.gather [hbm4b:s10+s5], $0x2780, $0x38;
	[tilespmem:$0x1D480] =	vst v63  }
0x2e: {  	_ =	swait.ge [sflag:s17], $0x2780  }
0x2f: {  	[sflag:s17] =	ssyncset.done $0x0  }
0x30: {  	[sflag:s17] =	ssyncadd.s32 $0xFFFFD880  }
0x31: {  	[tilespmem:s20], [sflag:$0x3] =	stream.linear.gather [hbm4b:s11+s5], $0x2780, $0x38;
	[tilespmem:$0x1D480] =	vst v63  }
0x32: {  	_ =	swait.ge [sflag:s17], $0x2780  }
0x33: {  	[sflag:s17] =	ssyncset.done $0x0  }
0x34: {  	s28 =	simm.s32 $0x0;
	[sflag:s17] =	ssyncadd.s32 $0xFFFFD880  }
0x35: {  	[tilespmem:s22], [sflag:$0x1] =	stream.indirect.gather [hbm4b:s6+s21], $0x80, s28, s21, $0xb8;
	[tilespmem:$0x1D480] =	vst v63  }
0x36: {  	_ =	swait.ge [sflag:s23], $0x4000  }
0x37: {  	[sflag:s23] =	ssyncset.done $0x0  }
0x38: {  	s29 =	simm.s32 $0x2780;
	[sflag:s23] =	ssyncadd.s32 $0xFFFFC000  }
0x39: {  	[spmem:s1] =	stream.indirect.scatter.add.f32 [tilespmem:s22], [sflag:$0x3], $0x80, s29, s21, $0xb8;
	[tilespmem:$0x1D480] =	vst v63  }
0x3a: {  	_ =	swait.ge [sflag:s17], $0x4000  }
0x3b: {  	[sflag:s17] =	ssyncset.done $0x0  }
0x3c: {  	[sflag:s17] =	ssyncadd.s32 $0xFFFFC000  }
0x3d: {  	[spmem:s3] =	stream.indirect.scatter.add.f32 [tilespmem:s24], [sflag:$0x2], $0x1, s29, s21, $0xb8;
	[tilespmem:$0x1D480] =	vst v63  }
0x3e: {  	s29 =	simm.s32 $0x200  }
.LBB2_2:
0x3f: {  	[spmem:s4] =	stream.indirect.scatter.add.f32 [tilespmem:s24], [sflag:$0x2], $0x1, s28, s21, $0xb8;
	[tilespmem:$0x1D480] =	vst v63  }
0x40: {  	s28 =	sshra.s32 s29, $0x2;
	p0 =	sne.s32 s29, $0x9C00;
	s29 =	sadd.s32 $0x200, s29  }
0x41: {  	[tilespmem:s22], [sflag:$0x1] =	stream.indirect.gather [hbm4b:s6+s21], $0x80, s28, s21, $0xb8;
	[tilespmem:$0x1D480] =	vst v63  }
0x42: {  	_ =	swait.ge [sflag:s23], $0x4000  }
0x43: {  	[sflag:s23] =	ssyncset.done $0x0  }
0x44: {  	s30 =	sadd.s32 $0x2780, s28;
	[sflag:s23] =	ssyncadd.s32 $0xFFFFC000  }
0x45: {  	[spmem:s1] =	stream.indirect.scatter.add.f32 [tilespmem:s22], [sflag:$0x3], $0x80, s30, s21, $0xb8;
	[tilespmem:$0x1D480] =	vst v63  }
.Ltmp0:
0x46: {  	_ = 	snop;
	(pc) =	sbr.rel @p0 .LBB2_2-.Ltmp0, $4  }
0x47: {  	_ =	swait.ge [sflag:s17], $0x4000  }
0x48: {  	[sflag:s17] =	ssyncset.done $0x0  }
0x49: {  	[sflag:s17] =	ssyncadd.s32 $0xFFFFC000  }
0x4a: {  	[spmem:s3] =	stream.indirect.scatter.add.f32 [tilespmem:s24], [sflag:$0x2], $0x1, s30, s21, $0xb8;
	[tilespmem:$0x1D480] =	vst v63  }
0x4b: {  	[spmem:s4] =	stream.indirect.scatter.add.f32 [tilespmem:s24], [sflag:$0x2], $0x1, s28, s21, $0xb8;
	[tilespmem:$0x1D480] =	vst v63  }
0x4c: {  	_ =	swait.ge [sflag:s25], $0x80  }
0x4d: {  	[sflag:s25] =	ssyncset.done $0x0  }
0x4e: {  	[sflag:s25] =	ssyncadd.s32 $0xFFFFFF80  }
0x4f: {  	_ =	swait.ge [sflag:s25], $0x80  }
0x50: {  	s28 =	simm.s32 $0x4E;
	[sflag:s25] =	ssyncset.done $0x0  }
.LBB2_4:
0x51: {  	p0 =	sne.s32 s28, $0x1;
	s28 =	sadd.s32 $0xFFFFFFFF, s28;
	[sflag:s25] =	ssyncadd.s32 $0xFFFFFF80  }
.Ltmp1:
0x52: {  	_ =	swait.ge [sflag:s25], $0x80;
	(pc) =	sbr.rel @p0 .LBB2_4-.Ltmp1, $4  }
0x53: {  	[sflag:s25] =	ssyncset.done $0x0  }
0x54: {  	[sflag:s25] =	ssyncadd.s32 $0xFFFFFF80  }
0x55: {  	_ =	swait.ge [sflag:s25], $0x80  }
0x56: {  	[sflag:s25] =	ssyncset.done $0x0  }
0x57: {  	[sflag:s25] =	ssyncadd.s32 $0xFFFFFF80  }
0x58: {  	[bflag:$0x0] =	sbarrier.arrive $0xFFFF  }
0x59: {  	[hbm:s12], [sflag:s8] =	dma.local [spmem:s16], $0x2800  }
0x5a: {  	_ =	swait.ge [sflag:s17], $0x2800  }
0x5b: {  	[sflag:s17] =	ssyncset.done $0x0  }
0x5c: {  	[sflag:s17] =	ssyncadd.s32 $0xFFFFD800  }
0x5d: {  	[hbm:s13], [sflag:s8] =	dma.local [spmem:s18], $0x50  }
0x5e: {  	s26 =	sadd.s32 $0x1, s26;
	_ =	swait.ge [sflag:s17], $0x50  }
0x5f: {  	p0 =	sne.s32 s26, s15;
	[sflag:s17] =	ssyncset.done $0x0  }
.Ltmp2:
0x60: {  	[sflag:s17] =	ssyncadd.s32 $0xFFFFFFB0;
	(pc) =	sbr.rel @p0 .LBB2_1-.Ltmp2, $4  }
0x61: {  	[hbm:s14], [sflag:s8] =	dma.local [spmem:s19], $0x50  }
0x62: {  	_ =	swait.ge [sflag:s17], $0x50  }
0x63: {  	[sflag:s17] =	ssyncset.done $0x0  }
0x64: {  	[sflag:s17] =	ssyncadd.s32 $0xFFFFFFB0  }
0x65: {  	_ =	sfence.sel $0x180000  }
0x66: {  	[bflag:$0x0] =	sbarrier.arrive $0xFFFF  }
0x67: {  	p0 =	sne.s32 s0, $0x0;
	_ =	strace $0x90000047  }
0x68: {  	s0 =	sadd.s32 @!p0 $0x100000, s2;
	[bflag:$0x2] =	sbarrier.arrive $0xFFFF  }
0x69: {  	[sflag:s0] =	ssyncadd.tile.s32 @!p0 $0x1;
	_ =	shalt  }
.Lfunc_end2:
_tile_overlayer_lowered:
.L_overlay_start_2:
0x6a: {  	(tag) =	ssettag $0x2  }
0x6b: {  	s0 =	rddreg [dreg:$0x0];
	s2 =	stileid.u32  }
0x6c: {  	s1 =	rddreg [dreg:$0x1];
	p0 =	sne.s32 s2, $0x0  }
0x6d: {  	s3 =	rddreg [dreg:$0x2];
	[bflag:$0x3] =	sbarrier.arrive $0xFFFF;
	s2 =	simm.s32 @!p0 $0x1C03  }
0x6e: {  	[timem:s3], [sflag:s2] =	dma.local @!p0 [hbm:s0], s1  }
0x6f: {  	s0 =	simm.s32 @!p0 $0x3  }
0x70: {  	_ =	swait.ge @!p0 [sflag:s0], s1  }
0x71: {  	s1 =	ssub.s32 @!p0 $0x0, s1;
	[sflag:s0] =	ssyncset.done @!p0 $0x0  }
0x72: {  	[sflag:s0] =	ssyncadd.s32 @!p0 s1  }
0x73: {  	[bflag:$0x3] =	sbarrier.arrive $0xFFFF  }
0x74: {  	_ =	shalt  }

</sc_bundles>
